<compile_context>
chip_gen: v7x
topology: tpu7x:2x2x1
jax: 0.10.2.dev20260603
libtpu: 0.0.44.dev20260713+nightly
codegen_flags: <defaults>
</compile_context>

<pallas_src>
import functools

import jax
import jax.numpy as jnp
from jax import lax
from jax.experimental import pallas as pl
from jax.experimental.pallas import tpu as pltpu
from jax.experimental.pallas import tpu_sc as plsc

_LANES = 16


def _build_gather(batch, dim, num_heads, s_rows, pack):
    info = plsc.get_sparse_core_info()
    nc, ns = info.num_cores, info.num_subcores
    assert num_heads % nc == 0
    h_per_w = num_heads // nc
    b_per_w = batch // ns
    assert b_per_w * ns == batch and b_per_w % 8 == 0
    total = batch * num_heads
    vregs_per_row = b_per_w // _LANES
    assert vregs_per_row * _LANES == b_per_w

    mesh = plsc.VectorSubcoreMesh(core_axis_name="c", subcore_axis_name="s")

    @functools.partial(
        pl.kernel,
        mesh=mesh,
        out_type=jax.ShapeDtypeStruct((total, 128), jnp.float32),
        compiler_params=pltpu.CompilerParams(use_tc_tiling_on_sc=False),
        scratch_types=[
            pltpu.VMEM((num_heads * _LANES,), jnp.int32),
            pltpu.VMEM((num_heads * _LANES,), jnp.int32),
            pltpu.VMEM((h_per_w, b_per_w), jnp.int32),
            pltpu.VMEM((b_per_w, dim), jnp.float32),
            pltpu.VMEM((b_per_w, dim), jnp.float32),
            pltpu.SemaphoreType.DMA,
            pltpu.SemaphoreType.DMA,
            pltpu.SemaphoreType.DMA,
            pltpu.SemaphoreType.DMA,
        ],
    )
    def gather_kernel(hash_t_hbm, a_hbm, c_hbm, table_hbm, out_hbm,
                      a_v, c_v, ids_v, rows0, rows1,
                      gsem0, gsem1, wsem0, wsem1):
        wh = lax.axis_index("c")
        wb = lax.axis_index("s")
        h0 = wh * h_per_w
        b0 = wb * b_per_w

        pltpu.sync_copy(hash_t_hbm.at[pl.ds(h0, h_per_w), pl.ds(b0, b_per_w)],
                        ids_v)
        pltpu.sync_copy(a_hbm, a_v)
        pltpu.sync_copy(c_hbm, c_v)

        pat_a = [a_v[pl.ds((h0 + hl) * _LANES, _LANES)]
                 for hl in range(h_per_w)]
        pat_c = [c_v[pl.ds((h0 + hl) * _LANES, _LANES)]
                 for hl in range(h_per_w)]
        wrap = jnp.full((_LANES,), pack * s_rows - 1, jnp.int32)

        def add_body(j, carry):
            s = j * _LANES
            for hl in range(h_per_w):
                hsh = ids_v[hl, pl.ds(s, _LANES)]
                idx = hsh * pack + pat_a[hl]
                ids_v[hl, pl.ds(s, _LANES)] = jnp.where(
                    hsh >= pat_c[hl], idx - wrap, idx)
            return carry

        lax.fori_loop(0, vregs_per_row, add_body, 0)

        rows = (rows0, rows1)
        gsems = (gsem0, gsem1)
        wsems = (wsem0, wsem1)
        for hl in range(h_per_w):
            j = hl % 2
            if hl >= 2:
                pltpu.make_async_copy(
                    rows[j],
                    out_hbm.at[pl.ds((h0 + hl - 2) * batch + b0, b_per_w),
                               pl.ds(0, dim)],
                    wsems[j]).wait()
            pltpu.async_copy(
                table_hbm.at[ids_v.at[hl]], rows[j], gsems[j]).wait()
            pltpu.async_copy(
                rows[j],
                out_hbm.at[pl.ds((h0 + hl) * batch + b0, b_per_w),
                           pl.ds(0, dim)],
                wsems[j])
        for hl in (h_per_w - 2, h_per_w - 1):
            j = hl % 2
            pltpu.make_async_copy(
                rows[j],
                out_hbm.at[pl.ds((h0 + hl) * batch + b0, b_per_w),
                           pl.ds(0, dim)],
                wsems[j]).wait()

    return gather_kernel


def _tc_detranspose(table_t, dim, col_block, n_grid):
    pack = 128 // dim
    s_rows = n_grid * col_block

    def body(*refs):
        xs, o_ref = refs[:-1], refs[-1]
        stacked = jnp.concatenate([x[...] for x in xs], axis=0)
        o_ref[...] = jnp.swapaxes(stacked, 0, 1)

    max_blk = (table_t.shape[1] - 1) // col_block
    specs = [
        pl.BlockSpec(
            (dim, col_block),
            functools.partial(
                lambda k, j: (0, jnp.minimum(j + k * n_grid, max_blk)), k))
        for k in range(pack)
    ]
    return pl.pallas_call(
        body,
        grid=(n_grid,),
        in_specs=specs,
        out_specs=pl.BlockSpec((col_block, 128), lambda j: (j, 0)),
        out_shape=jax.ShapeDtypeStruct((s_rows, 128), jnp.float32),
    )(*([table_t] * pack))


def kernel(hash_ids, table, offsets):
    batch, num_heads = hash_ids.shape
    table_rows, dim = table.shape
    hash_t = hash_ids.T
    pack = 128 // dim
    col_block = 16384
    n_grid = -(-table_rows // (pack * col_block))
    s_rows = n_grid * col_block
    table_c = _tc_detranspose(table.T, dim, col_block, n_grid)
    table_c = table_c.reshape(pack * s_rows, dim)
    k0 = offsets // s_rows
    a_pat = jnp.repeat(pack * offsets - (pack * s_rows - 1) * k0, _LANES)
    c_pat = jnp.repeat(s_rows * (k0 + 1) - offsets, _LANES)
    gk = _build_gather(batch, dim, num_heads, s_rows, pack)
    out_t = gk(hash_t, a_pat, c_pat, table_c)
    out_t = out_t[:, :dim].reshape(num_heads, batch, dim)
    return out_t.transpose(1, 0, 2)

# --- scband reference (transcript-rebuilt; emitter-appended) ---
"""Pipeline reference for scband-multi-head-embedding-38517266710584 (READ-ONLY COPY).

The authoritative reference and input builder live on the scoring server;
editing this copy changes nothing except your own understanding.
"""

import jax, jax.numpy as jnp
import numpy as np

SIZES = [100000] * 26
DIM = 32
BATCH = 16384


def setup_inputs(seed: int = 0) -> dict:
    key = jax.random.key(seed)
    k1, k2 = jax.random.split(key)
    hash_ids = jax.random.randint(k1, (BATCH, len(SIZES)), 0, 100000, dtype=jnp.int32)
    total = int(sum(SIZES))
    table = jax.random.normal(k2, (total, DIM), dtype=jnp.float32) * 0.02
    offsets = jnp.asarray(np.cumsum([0] + SIZES[:-1]), dtype=jnp.int32)
    return {"hash_ids": hash_ids, "table": table, "offsets": offsets}


def reference(hash_ids, table, offsets):
    # flat_ids = hash_ids + offsets  (offsets broadcast over batch dim)
    flat_ids = hash_ids + offsets[None, :]
    # embedding lookup -> gather rows from table
    embeds = jnp.take(table, flat_ids, axis=0)
    return embeds

if __name__ == "__main__":
    import jax
    _d = setup_inputs()
    print(jax.jit(kernel)(*tuple(_d.values())))

</pallas_src>

<mosaic_0001>
#map = affine_map<(d0, d1) -> (0, 0)>
#map1 = affine_map<(d0, d1) -> (0)>
module attributes {stable_mosaic.version = 14 : i64} {
  func.func @gather_kernel(%arg0: i32, %arg1: i32, %arg2: memref<26x16384xi32, #tpu.memory_space<hbm>>, %arg3: memref<416xi32, #tpu.memory_space<hbm>>, %arg4: memref<416xi32, #tpu.memory_space<hbm>>, %arg5: memref<2621440x32xf32, #tpu.memory_space<hbm>>, %arg6: memref<425984x128xf32, #tpu.memory_space<hbm>>, %arg7: memref<416xi32, #tpu.memory_space<vmem>>, %arg8: memref<416xi32, #tpu.memory_space<vmem>>, %arg9: memref<13x1024xi32, #tpu.memory_space<vmem>>, %arg10: memref<1024x32xf32, #tpu.memory_space<vmem>>, %arg11: memref<1024x32xf32, #tpu.memory_space<vmem>>, %arg12: memref<!tpu.dma_semaphore, #tpu.memory_space<semaphore_mem>>, %arg13: memref<!tpu.dma_semaphore, #tpu.memory_space<semaphore_mem>>, %arg14: memref<!tpu.dma_semaphore, #tpu.memory_space<semaphore_mem>>, %arg15: memref<!tpu.dma_semaphore, #tpu.memory_space<semaphore_mem>>) attributes {dimension_semantics = [#tpu.dimension_semantics<core_parallel>, #tpu.dimension_semantics<subcore_parallel>], iteration_bounds = array<i64: 2, 16>, scalar_prefetch = 0 : i64, scratch_operands = 9 : i64, tpu.core_type = #tpu.core_type<sc_vector_subcore>, window_params = [{transform_indices = #map}, {transform_indices = #map1}, {transform_indices = #map1}, {transform_indices = #map}, {transform_indices = #map}]} {
    %mul3A = arith.constant 13 : i32
    %mul3A_0 = arith.muli %arg0, %mul3A : i32
    %mul3A_1 = arith.constant 1024 : i32
    %mul3A_2 = arith.muli %arg1, %mul3A_1 : i32
    "tpu.region"() ({
      %run_scoped3A = tpu.sem_alloc : memref<!tpu.dma_semaphore, #tpu.memory_space<semaphore_mem>>
      %dma_start3A_624 = tpu.memref_slice %arg2[%mul3A_0, %mul3A_2] : memref<26x16384xi32, #tpu.memory_space<hbm>> -> memref<13x1024xi32, #tpu.memory_space<hbm>>
      %dma_start3A_625 = tpu.memref_slice %arg2[%mul3A_0, %mul3A_2] : memref<26x16384xi32, #tpu.memory_space<hbm>> -> memref<13x1024xi32, #tpu.memory_space<hbm>>
      tpu.enqueue_dma source(%dma_start3A_625 : memref<13x1024xi32, #tpu.memory_space<hbm>>) target(%arg9 : memref<13x1024xi32, #tpu.memory_space<vmem>>) target_semaphore(%run_scoped3A : memref<!tpu.dma_semaphore, #tpu.memory_space<semaphore_mem>>)
      %dma_wait3A_626 = tpu.memref_slice %arg2[%mul3A_0, %mul3A_2] : memref<26x16384xi32, #tpu.memory_space<hbm>> -> memref<13x1024xi32, #tpu.memory_space<hbm>>
      %dma_wait3A_627 = tpu.memref_slice %arg2[%mul3A_0, %mul3A_2] : memref<26x16384xi32, #tpu.memory_space<hbm>> -> memref<13x1024xi32, #tpu.memory_space<hbm>>
      tpu.wait_dma2 semaphore(%run_scoped3A : memref<!tpu.dma_semaphore, #tpu.memory_space<semaphore_mem>>) src(%dma_wait3A_627 : memref<13x1024xi32, #tpu.memory_space<hbm>>) dst(%arg9 : memref<13x1024xi32, #tpu.memory_space<vmem>>)
      tpu.yield
    }) : () -> ()
    "tpu.region"() ({
      %run_scoped3A = tpu.sem_alloc : memref<!tpu.dma_semaphore, #tpu.memory_space<semaphore_mem>>
      tpu.enqueue_dma source(%arg3 : memref<416xi32, #tpu.memory_space<hbm>>) target(%arg7 : memref<416xi32, #tpu.memory_space<vmem>>) target_semaphore(%run_scoped3A : memref<!tpu.dma_semaphore, #tpu.memory_space<semaphore_mem>>)
      tpu.wait_dma2 semaphore(%run_scoped3A : memref<!tpu.dma_semaphore, #tpu.memory_space<semaphore_mem>>) src(%arg3 : memref<416xi32, #tpu.memory_space<hbm>>) dst(%arg7 : memref<416xi32, #tpu.memory_space<vmem>>)
      tpu.yield
    }) : () -> ()
    "tpu.region"() ({
      %run_scoped3A = tpu.sem_alloc : memref<!tpu.dma_semaphore, #tpu.memory_space<semaphore_mem>>
      tpu.enqueue_dma source(%arg4 : memref<416xi32, #tpu.memory_space<hbm>>) target(%arg8 : memref<416xi32, #tpu.memory_space<vmem>>) target_semaphore(%run_scoped3A : memref<!tpu.dma_semaphore, #tpu.memory_space<semaphore_mem>>)
      tpu.wait_dma2 semaphore(%run_scoped3A : memref<!tpu.dma_semaphore, #tpu.memory_space<semaphore_mem>>) src(%arg4 : memref<416xi32, #tpu.memory_space<hbm>>) dst(%arg8 : memref<416xi32, #tpu.memory_space<vmem>>)
      tpu.yield
    }) : () -> ()
    %add3A = arith.constant 0 : i32
    %add3A_3 = arith.addi %mul3A_0, %add3A : i32
    %mul3A_4 = arith.constant 16 : i32
    %mul3A_5 = arith.muli %add3A_3, %mul3A_4 : i32
    %get3A = arith.index_cast %mul3A_5 : i32 to index
    %get3A_6 = tpu.vector_load %arg7[%get3A] {strides = array<i32>} : memref<416xi32, #tpu.memory_space<vmem>>, vector<16xi32>,
    %get3A_7 = vector.shape_cast %get3A_6 : vector<16xi32> to vector<16xi32>
    %add3A_8 = arith.constant 1 : i32
    %add3A_9 = arith.addi %mul3A_0, %add3A_8 : i32
    %mul3A_10 = arith.constant 16 : i32
    %mul3A_11 = arith.muli %add3A_9, %mul3A_10 : i32
    %get3A_12 = arith.index_cast %mul3A_11 : i32 to index
    %get3A_13 = tpu.vector_load %arg7[%get3A_12] {strides = array<i32>} : memref<416xi32, #tpu.memory_space<vmem>>, vector<16xi32>,
    %get3A_14 = vector.shape_cast %get3A_13 : vector<16xi32> to vector<16xi32>
    %add3A_15 = arith.constant 2 : i32
    %add3A_16 = arith.addi %mul3A_0, %add3A_15 : i32
    %mul3A_17 = arith.constant 16 : i32
    %mul3A_18 = arith.muli %add3A_16, %mul3A_17 : i32
    %get3A_19 = arith.index_cast %mul3A_18 : i32 to index
    %get3A_20 = tpu.vector_load %arg7[%get3A_19] {strides = array<i32>} : memref<416xi32, #tpu.memory_space<vmem>>, vector<16xi32>,
    %get3A_21 = vector.shape_cast %get3A_20 : vector<16xi32> to vector<16xi32>
    %add3A_22 = arith.constant 3 : i32
    %add3A_23 = arith.addi %mul3A_0, %add3A_22 : i32
    %mul3A_24 = arith.constant 16 : i32
    %mul3A_25 = arith.muli %add3A_23, %mul3A_24 : i32
    %get3A_26 = arith.index_cast %mul3A_25 : i32 to index
    %get3A_27 = tpu.vector_load %arg7[%get3A_26] {strides = array<i32>} : memref<416xi32, #tpu.memory_space<vmem>>, vector<16xi32>,
    %get3A_28 = vector.shape_cast %get3A_27 : vector<16xi32> to vector<16xi32>
    %add3A_29 = arith.constant 4 : i32
    %add3A_30 = arith.addi %mul3A_0, %add3A_29 : i32
    %mul3A_31 = arith.constant 16 : i32
    %mul3A_32 = arith.muli %add3A_30, %mul3A_31 : i32
    %get3A_33 = arith.index_cast %mul3A_32 : i32 to index
    %get3A_34 = tpu.vector_load %arg7[%get3A_33] {strides = array<i32>} : memref<416xi32, #tpu.memory_space<vmem>>, vector<16xi32>,
    %get3A_35 = vector.shape_cast %get3A_34 : vector<16xi32> to vector<16xi32>
    %add3A_36 = arith.constant 5 : i32
    %add3A_37 = arith.addi %mul3A_0, %add3A_36 : i32
    %mul3A_38 = arith.constant 16 : i32
    %mul3A_39 = arith.muli %add3A_37, %mul3A_38 : i32
    %get3A_40 = arith.index_cast %mul3A_39 : i32 to index
    %get3A_41 = tpu.vector_load %arg7[%get3A_40] {strides = array<i32>} : memref<416xi32, #tpu.memory_space<vmem>>, vector<16xi32>,
    %get3A_42 = vector.shape_cast %get3A_41 : vector<16xi32> to vector<16xi32>
    %add3A_43 = arith.constant 6 : i32
    %add3A_44 = arith.addi %mul3A_0, %add3A_43 : i32
    %mul3A_45 = arith.constant 16 : i32
    %mul3A_46 = arith.muli %add3A_44, %mul3A_45 : i32
    %get3A_47 = arith.index_cast %mul3A_46 : i32 to index
    %get3A_48 = tpu.vector_load %arg7[%get3A_47] {strides = array<i32>} : memref<416xi32, #tpu.memory_space<vmem>>, vector<16xi32>,
    %get3A_49 = vector.shape_cast %get3A_48 : vector<16xi32> to vector<16xi32>
    %add3A_50 = arith.constant 7 : i32
    %add3A_51 = arith.addi %mul3A_0, %add3A_50 : i32
    %mul3A_52 = arith.constant 16 : i32
    %mul3A_53 = arith.muli %add3A_51, %mul3A_52 : i32
    %get3A_54 = arith.index_cast %mul3A_53 : i32 to index
    %get3A_55 = tpu.vector_load %arg7[%get3A_54] {strides = array<i32>} : memref<416xi32, #tpu.memory_space<vmem>>, vector<16xi32>,
    %get3A_56 = vector.shape_cast %get3A_55 : vector<16xi32> to vector<16xi32>
    %add3A_57 = arith.constant 8 : i32
    %add3A_58 = arith.addi %mul3A_0, %add3A_57 : i32
    %mul3A_59 = arith.constant 16 : i32
    %mul3A_60 = arith.muli %add3A_58, %mul3A_59 : i32
    %get3A_61 = arith.index_cast %mul3A_60 : i32 to index
    %get3A_62 = tpu.vector_load %arg7[%get3A_61] {strides = array<i32>} : memref<416xi32, #tpu.memory_space<vmem>>, vector<16xi32>,
    %get3A_63 = vector.shape_cast %get3A_62 : vector<16xi32> to vector<16xi32>
    %add3A_64 = arith.constant 9 : i32
    %add3A_65 = arith.addi %mul3A_0, %add3A_64 : i32
    %mul3A_66 = arith.constant 16 : i32
    %mul3A_67 = arith.muli %add3A_65, %mul3A_66 : i32
    %get3A_68 = arith.index_cast %mul3A_67 : i32 to index
    %get3A_69 = tpu.vector_load %arg7[%get3A_68] {strides = array<i32>} : memref<416xi32, #tpu.memory_space<vmem>>, vector<16xi32>,
    %get3A_70 = vector.shape_cast %get3A_69 : vector<16xi32> to vector<16xi32>
    %add3A_71 = arith.constant 10 : i32
    %add3A_72 = arith.addi %mul3A_0, %add3A_71 : i32
    %mul3A_73 = arith.constant 16 : i32
    %mul3A_74 = arith.muli %add3A_72, %mul3A_73 : i32
    %get3A_75 = arith.index_cast %mul3A_74 : i32 to index
    %get3A_76 = tpu.vector_load %arg7[%get3A_75] {strides = array<i32>} : memref<416xi32, #tpu.memory_space<vmem>>, vector<16xi32>,
    %get3A_77 = vector.shape_cast %get3A_76 : vector<16xi32> to vector<16xi32>
    %add3A_78 = arith.constant 11 : i32
    %add3A_79 = arith.addi %mul3A_0, %add3A_78 : i32
    %mul3A_80 = arith.constant 16 : i32
    %mul3A_81 = arith.muli %add3A_79, %mul3A_80 : i32
    %get3A_82 = arith.index_cast %mul3A_81 : i32 to index
    %get3A_83 = tpu.vector_load %arg7[%get3A_82] {strides = array<i32>} : memref<416xi32, #tpu.memory_space<vmem>>, vector<16xi32>,
    %get3A_84 = vector.shape_cast %get3A_83 : vector<16xi32> to vector<16xi32>
    %add3A_85 = arith.constant 12 : i32
    %add3A_86 = arith.addi %mul3A_0, %add3A_85 : i32
    %mul3A_87 = arith.constant 16 : i32
    %mul3A_88 = arith.muli %add3A_86, %mul3A_87 : i32
    %get3A_89 = arith.index_cast %mul3A_88 : i32 to index
    %get3A_90 = tpu.vector_load %arg7[%get3A_89] {strides = array<i32>} : memref<416xi32, #tpu.memory_space<vmem>>, vector<16xi32>,
    %get3A_91 = vector.shape_cast %get3A_90 : vector<16xi32> to vector<16xi32>
    %add3A_92 = arith.constant 0 : i32
    %add3A_93 = arith.addi %mul3A_0, %add3A_92 : i32
    %mul3A_94 = arith.constant 16 : i32
    %mul3A_95 = arith.muli %add3A_93, %mul3A_94 : i32
    %get3A_96 = arith.index_cast %mul3A_95 : i32 to index
    %get3A_97 = tpu.vector_load %arg8[%get3A_96] {strides = array<i32>} : memref<416xi32, #tpu.memory_space<vmem>>, vector<16xi32>,
    %get3A_98 = vector.shape_cast %get3A_97 : vector<16xi32> to vector<16xi32>
    %add3A_99 = arith.constant 1 : i32
    %add3A_100 = arith.addi %mul3A_0, %add3A_99 : i32
    %mul3A_101 = arith.constant 16 : i32
    %mul3A_102 = arith.muli %add3A_100, %mul3A_101 : i32
    %get3A_103 = arith.index_cast %mul3A_102 : i32 to index
    %get3A_104 = tpu.vector_load %arg8[%get3A_103] {strides = array<i32>} : memref<416xi32, #tpu.memory_space<vmem>>, vector<16xi32>,
    %get3A_105 = vector.shape_cast %get3A_104 : vector<16xi32> to vector<16xi32>
    %add3A_106 = arith.constant 2 : i32
    %add3A_107 = arith.addi %mul3A_0, %add3A_106 : i32
    %mul3A_108 = arith.constant 16 : i32
    %mul3A_109 = arith.muli %add3A_107, %mul3A_108 : i32
    %get3A_110 = arith.index_cast %mul3A_109 : i32 to index
    %get3A_111 = tpu.vector_load %arg8[%get3A_110] {strides = array<i32>} : memref<416xi32, #tpu.memory_space<vmem>>, vector<16xi32>,
    %get3A_112 = vector.shape_cast %get3A_111 : vector<16xi32> to vector<16xi32>
    %add3A_113 = arith.constant 3 : i32
    %add3A_114 = arith.addi %mul3A_0, %add3A_113 : i32
    %mul3A_115 = arith.constant 16 : i32
    %mul3A_116 = arith.muli %add3A_114, %mul3A_115 : i32
    %get3A_117 = arith.index_cast %mul3A_116 : i32 to index
    %get3A_118 = tpu.vector_load %arg8[%get3A_117] {strides = array<i32>} : memref<416xi32, #tpu.memory_space<vmem>>, vector<16xi32>,
    %get3A_119 = vector.shape_cast %get3A_118 : vector<16xi32> to vector<16xi32>
    %add3A_120 = arith.constant 4 : i32
    %add3A_121 = arith.addi %mul3A_0, %add3A_120 : i32
    %mul3A_122 = arith.constant 16 : i32
    %mul3A_123 = arith.muli %add3A_121, %mul3A_122 : i32
    %get3A_124 = arith.index_cast %mul3A_123 : i32 to index
    %get3A_125 = tpu.vector_load %arg8[%get3A_124] {strides = array<i32>} : memref<416xi32, #tpu.memory_space<vmem>>, vector<16xi32>,
    %get3A_126 = vector.shape_cast %get3A_125 : vector<16xi32> to vector<16xi32>
    %add3A_127 = arith.constant 5 : i32
    %add3A_128 = arith.addi %mul3A_0, %add3A_127 : i32
    %mul3A_129 = arith.constant 16 : i32
    %mul3A_130 = arith.muli %add3A_128, %mul3A_129 : i32
    %get3A_131 = arith.index_cast %mul3A_130 : i32 to index
    %get3A_132 = tpu.vector_load %arg8[%get3A_131] {strides = array<i32>} : memref<416xi32, #tpu.memory_space<vmem>>, vector<16xi32>,
    %get3A_133 = vector.shape_cast %get3A_132 : vector<16xi32> to vector<16xi32>
    %add3A_134 = arith.constant 6 : i32
    %add3A_135 = arith.addi %mul3A_0, %add3A_134 : i32
    %mul3A_136 = arith.constant 16 : i32
    %mul3A_137 = arith.muli %add3A_135, %mul3A_136 : i32
    %get3A_138 = arith.index_cast %mul3A_137 : i32 to index
    %get3A_139 = tpu.vector_load %arg8[%get3A_138] {strides = array<i32>} : memref<416xi32, #tpu.memory_space<vmem>>, vector<16xi32>,
    %get3A_140 = vector.shape_cast %get3A_139 : vector<16xi32> to vector<16xi32>
    %add3A_141 = arith.constant 7 : i32
    %add3A_142 = arith.addi %mul3A_0, %add3A_141 : i32
    %mul3A_143 = arith.constant 16 : i32
    %mul3A_144 = arith.muli %add3A_142, %mul3A_143 : i32
    %get3A_145 = arith.index_cast %mul3A_144 : i32 to index
    %get3A_146 = tpu.vector_load %arg8[%get3A_145] {strides = array<i32>} : memref<416xi32, #tpu.memory_space<vmem>>, vector<16xi32>,
    %get3A_147 = vector.shape_cast %get3A_146 : vector<16xi32> to vector<16xi32>
    %add3A_148 = arith.constant 8 : i32
    %add3A_149 = arith.addi %mul3A_0, %add3A_148 : i32
    %mul3A_150 = arith.constant 16 : i32
    %mul3A_151 = arith.muli %add3A_149, %mul3A_150 : i32
    %get3A_152 = arith.index_cast %mul3A_151 : i32 to index
    %get3A_153 = tpu.vector_load %arg8[%get3A_152] {strides = array<i32>} : memref<416xi32, #tpu.memory_space<vmem>>, vector<16xi32>,
    %get3A_154 = vector.shape_cast %get3A_153 : vector<16xi32> to vector<16xi32>
    %add3A_155 = arith.constant 9 : i32
    %add3A_156 = arith.addi %mul3A_0, %add3A_155 : i32
    %mul3A_157 = arith.constant 16 : i32
    %mul3A_158 = arith.muli %add3A_156, %mul3A_157 : i32
    %get3A_159 = arith.index_cast %mul3A_158 : i32 to index
    %get3A_160 = tpu.vector_load %arg8[%get3A_159] {strides = array<i32>} : memref<416xi32, #tpu.memory_space<vmem>>, vector<16xi32>,
    %get3A_161 = vector.shape_cast %get3A_160 : vector<16xi32> to vector<16xi32>
    %add3A_162 = arith.constant 10 : i32
    %add3A_163 = arith.addi %mul3A_0, %add3A_162 : i32
    %mul3A_164 = arith.constant 16 : i32
    %mul3A_165 = arith.muli %add3A_163, %mul3A_164 : i32
    %get3A_166 = arith.index_cast %mul3A_165 : i32 to index
    %get3A_167 = tpu.vector_load %arg8[%get3A_166] {strides = array<i32>} : memref<416xi32, #tpu.memory_space<vmem>>, vector<16xi32>,
    %get3A_168 = vector.shape_cast %get3A_167 : vector<16xi32> to vector<16xi32>
    %add3A_169 = arith.constant 11 : i32
    %add3A_170 = arith.addi %mul3A_0, %add3A_169 : i32
    %mul3A_171 = arith.constant 16 : i32
    %mul3A_172 = arith.muli %add3A_170, %mul3A_171 : i32
    %get3A_173 = arith.index_cast %mul3A_172 : i32 to index
    %get3A_174 = tpu.vector_load %arg8[%get3A_173] {strides = array<i32>} : memref<416xi32, #tpu.memory_space<vmem>>, vector<16xi32>,
    %get3A_175 = vector.shape_cast %get3A_174 : vector<16xi32> to vector<16xi32>
    %add3A_176 = arith.constant 12 : i32
    %add3A_177 = arith.addi %mul3A_0, %add3A_176 : i32
    %mul3A_178 = arith.constant 16 : i32
    %mul3A_179 = arith.muli %add3A_177, %mul3A_178 : i32
    %get3A_180 = arith.index_cast %mul3A_179 : i32 to index
    %get3A_181 = tpu.vector_load %arg8[%get3A_180] {strides = array<i32>} : memref<416xi32, #tpu.memory_space<vmem>>, vector<16xi32>,
    %get3A_182 = vector.shape_cast %get3A_181 : vector<16xi32> to vector<16xi32>
    %broadcast_in_dim3A = arith.constant 2621439 : i32
    %broadcast_in_dim3A_183 = vector.broadcast %broadcast_in_dim3A : i32 to vector<16xi32>
    %scan3A = arith.constant 0 : i32
    %scan3A_184 = arith.constant 0 : i32
    %scan3A_185 = arith.constant 64 : i32
    %scan3A_186 = arith.addi %scan3A_184, %scan3A_185 : i32
    %scan3A_187 = arith.constant 1 : i32
    scf.for %scan3A_624 = %scan3A_184 to %scan3A_186 step %scan3A_187  : i32 {
      %mul3A_625 = arith.constant 16 : i32
      %mul3A_626 = arith.muli %scan3A_624, %mul3A_625 : i32
      %get3A_627 = arith.constant 0 : i32
      %get3A_628 = arith.index_cast %get3A_627 : i32 to index
      %get3A_629 = arith.index_cast %mul3A_626 : i32 to index
      %get3A_630 = tpu.vector_load %arg9[%get3A_628, %get3A_629] {strides = array<i32>} : memref<13x1024xi32, #tpu.memory_space<vmem>>, vector<1x16xi32>,
      %get3A_631 = vector.shape_cast %get3A_630 : vector<1x16xi32> to vector<16xi32>
      %mul3A_632 = arith.constant 4 : i32
      %mul3A_633 = vector.broadcast %mul3A_632 : i32 to vector<16xi32>
      %mul3A_634 = arith.muli %get3A_631, %mul3A_633 : vector<16xi32>
      %add3A_635 = arith.addi %mul3A_634, %get3A_7 : vector<16xi32>
      %ge3A = arith.cmpi sge, %get3A_631, %get3A_98 : vector<16xi32>
      %sub3A_636 = arith.subi %add3A_635, %broadcast_in_dim3A_183 : vector<16xi32>
      %select_n3A = arith.select %ge3A, %sub3A_636, %add3A_635 : vector<16xi1>, vector<16xi32>
      %swap3A = arith.constant 0 : i32
      %swap3A_637 = arith.index_cast %swap3A : i32 to index
      %swap3A_638 = arith.index_cast %mul3A_626 : i32 to index
      %swap3A_639 = tpu.vector_load %arg9[%swap3A_637, %swap3A_638] {strides = array<i32>} : memref<13x1024xi32, #tpu.memory_space<vmem>>, vector<1x16xi32>,
      %swap3A_640 = vector.shape_cast %swap3A_639 : vector<1x16xi32> to vector<16xi32>
      %swap3A_641 = vector.shape_cast %select_n3A : vector<16xi32> to vector<1x16xi32>
      tpu.vector_store %arg9[%swap3A_637, %swap3A_638], %swap3A_641 {strides = array<i32>} : memref<13x1024xi32, #tpu.memory_space<vmem>>, vector<1x16xi32>,
      %get3A_642 = arith.constant 1 : i32
      %get3A_643 = arith.index_cast %get3A_642 : i32 to index
      %get3A_644 = arith.index_cast %mul3A_626 : i32 to index
      %get3A_645 = tpu.vector_load %arg9[%get3A_643, %get3A_644] {strides = array<i32>} : memref<13x1024xi32, #tpu.memory_space<vmem>>, vector<1x16xi32>,
      %get3A_646 = vector.shape_cast %get3A_645 : vector<1x16xi32> to vector<16xi32>
      %mul3A_647 = arith.constant 4 : i32
      %mul3A_648 = vector.broadcast %mul3A_647 : i32 to vector<16xi32>
      %mul3A_649 = arith.muli %get3A_646, %mul3A_648 : vector<16xi32>
      %add3A_650 = arith.addi %mul3A_649, %get3A_14 : vector<16xi32>
      %ge3A_651 = arith.cmpi sge, %get3A_646, %get3A_105 : vector<16xi32>
      %sub3A_652 = arith.subi %add3A_650, %broadcast_in_dim3A_183 : vector<16xi32>
      %select_n3A_653 = arith.select %ge3A_651, %sub3A_652, %add3A_650 : vector<16xi1>, vector<16xi32>
      %swap3A_654 = arith.constant 1 : i32
      %swap3A_655 = arith.index_cast %swap3A_654 : i32 to index
      %swap3A_656 = arith.index_cast %mul3A_626 : i32 to index
      %swap3A_657 = tpu.vector_load %arg9[%swap3A_655, %swap3A_656] {strides = array<i32>} : memref<13x1024xi32, #tpu.memory_space<vmem>>, vector<1x16xi32>,
      %swap3A_658 = vector.shape_cast %swap3A_657 : vector<1x16xi32> to vector<16xi32>
      %swap3A_659 = vector.shape_cast %select_n3A_653 : vector<16xi32> to vector<1x16xi32>
      tpu.vector_store %arg9[%swap3A_655, %swap3A_656], %swap3A_659 {strides = array<i32>} : memref<13x1024xi32, #tpu.memory_space<vmem>>, vector<1x16xi32>,
      %get3A_660 = arith.constant 2 : i32
      %get3A_661 = arith.index_cast %get3A_660 : i32 to index
      %get3A_662 = arith.index_cast %mul3A_626 : i32 to index
      %get3A_663 = tpu.vector_load %arg9[%get3A_661, %get3A_662] {strides = array<i32>} : memref<13x1024xi32, #tpu.memory_space<vmem>>, vector<1x16xi32>,
      %get3A_664 = vector.shape_cast %get3A_663 : vector<1x16xi32> to vector<16xi32>
      %mul3A_665 = arith.constant 4 : i32
      %mul3A_666 = vector.broadcast %mul3A_665 : i32 to vector<16xi32>
      %mul3A_667 = arith.muli %get3A_664, %mul3A_666 : vector<16xi32>
      %add3A_668 = arith.addi %mul3A_667, %get3A_21 : vector<16xi32>
      %ge3A_669 = arith.cmpi sge, %get3A_664, %get3A_112 : vector<16xi32>
      %sub3A_670 = arith.subi %add3A_668, %broadcast_in_dim3A_183 : vector<16xi32>
      %select_n3A_671 = arith.select %ge3A_669, %sub3A_670, %add3A_668 : vector<16xi1>, vector<16xi32>
      %swap3A_672 = arith.constant 2 : i32
      %swap3A_673 = arith.index_cast %swap3A_672 : i32 to index
      %swap3A_674 = arith.index_cast %mul3A_626 : i32 to index
      %swap3A_675 = tpu.vector_load %arg9[%swap3A_673, %swap3A_674] {strides = array<i32>} : memref<13x1024xi32, #tpu.memory_space<vmem>>, vector<1x16xi32>,
      %swap3A_676 = vector.shape_cast %swap3A_675 : vector<1x16xi32> to vector<16xi32>
      %swap3A_677 = vector.shape_cast %select_n3A_671 : vector<16xi32> to vector<1x16xi32>
      tpu.vector_store %arg9[%swap3A_673, %swap3A_674], %swap3A_677 {strides = array<i32>} : memref<13x1024xi32, #tpu.memory_space<vmem>>, vector<1x16xi32>,
      %get3A_678 = arith.constant 3 : i32
      %get3A_679 = arith.index_cast %get3A_678 : i32 to index
      %get3A_680 = arith.index_cast %mul3A_626 : i32 to index
      %get3A_681 = tpu.vector_load %arg9[%get3A_679, %get3A_680] {strides = array<i32>} : memref<13x1024xi32, #tpu.memory_space<vmem>>, vector<1x16xi32>,
      %get3A_682 = vector.shape_cast %get3A_681 : vector<1x16xi32> to vector<16xi32>
      %mul3A_683 = arith.constant 4 : i32
      %mul3A_684 = vector.broadcast %mul3A_683 : i32 to vector<16xi32>
      %mul3A_685 = arith.muli %get3A_682, %mul3A_684 : vector<16xi32>
      %add3A_686 = arith.addi %mul3A_685, %get3A_28 : vector<16xi32>
      %ge3A_687 = arith.cmpi sge, %get3A_682, %get3A_119 : vector<16xi32>
      %sub3A_688 = arith.subi %add3A_686, %broadcast_in_dim3A_183 : vector<16xi32>
      %select_n3A_689 = arith.select %ge3A_687, %sub3A_688, %add3A_686 : vector<16xi1>, vector<16xi32>
      %swap3A_690 = arith.constant 3 : i32
      %swap3A_691 = arith.index_cast %swap3A_690 : i32 to index
      %swap3A_692 = arith.index_cast %mul3A_626 : i32 to index
      %swap3A_693 = tpu.vector_load %arg9[%swap3A_691, %swap3A_692] {strides = array<i32>} : memref<13x1024xi32, #tpu.memory_space<vmem>>, vector<1x16xi32>,
      %swap3A_694 = vector.shape_cast %swap3A_693 : vector<1x16xi32> to vector<16xi32>
      %swap3A_695 = vector.shape_cast %select_n3A_689 : vector<16xi32> to vector<1x16xi32>
      tpu.vector_store %arg9[%swap3A_691, %swap3A_692], %swap3A_695 {strides = array<i32>} : memref<13x1024xi32, #tpu.memory_space<vmem>>, vector<1x16xi32>,
      %get3A_696 = arith.constant 4 : i32
      %get3A_697 = arith.index_cast %get3A_696 : i32 to index
      %get3A_698 = arith.index_cast %mul3A_626 : i32 to index
      %get3A_699 = tpu.vector_load %arg9[%get3A_697, %get3A_698] {strides = array<i32>} : memref<13x1024xi32, #tpu.memory_space<vmem>>, vector<1x16xi32>,
      %get3A_700 = vector.shape_cast %get3A_699 : vector<1x16xi32> to vector<16xi32>
      %mul3A_701 = arith.constant 4 : i32
      %mul3A_702 = vector.broadcast %mul3A_701 : i32 to vector<16xi32>
      %mul3A_703 = arith.muli %get3A_700, %mul3A_702 : vector<16xi32>
      %add3A_704 = arith.addi %mul3A_703, %get3A_35 : vector<16xi32>
      %ge3A_705 = arith.cmpi sge, %get3A_700, %get3A_126 : vector<16xi32>
      %sub3A_706 = arith.subi %add3A_704, %broadcast_in_dim3A_183 : vector<16xi32>
      %select_n3A_707 = arith.select %ge3A_705, %sub3A_706, %add3A_704 : vector<16xi1>, vector<16xi32>
      %swap3A_708 = arith.constant 4 : i32
      %swap3A_709 = arith.index_cast %swap3A_708 : i32 to index
      %swap3A_710 = arith.index_cast %mul3A_626 : i32 to index
      %swap3A_711 = tpu.vector_load %arg9[%swap3A_709, %swap3A_710] {strides = array<i32>} : memref<13x1024xi32, #tpu.memory_space<vmem>>, vector<1x16xi32>,
      %swap3A_712 = vector.shape_cast %swap3A_711 : vector<1x16xi32> to vector<16xi32>
      %swap3A_713 = vector.shape_cast %select_n3A_707 : vector<16xi32> to vector<1x16xi32>
      tpu.vector_store %arg9[%swap3A_709, %swap3A_710], %swap3A_713 {strides = array<i32>} : memref<13x1024xi32, #tpu.memory_space<vmem>>, vector<1x16xi32>,
      %get3A_714 = arith.constant 5 : i32
      %get3A_715 = arith.index_cast %get3A_714 : i32 to index
      %get3A_716 = arith.index_cast %mul3A_626 : i32 to index
      %get3A_717 = tpu.vector_load %arg9[%get3A_715, %get3A_716] {strides = array<i32>} : memref<13x1024xi32, #tpu.memory_space<vmem>>, vector<1x16xi32>,
      %get3A_718 = vector.shape_cast %get3A_717 : vector<1x16xi32> to vector<16xi32>
      %mul3A_719 = arith.constant 4 : i32
      %mul3A_720 = vector.broadcast %mul3A_719 : i32 to vector<16xi32>
      %mul3A_721 = arith.muli %get3A_718, %mul3A_720 : vector<16xi32>
      %add3A_722 = arith.addi %mul3A_721, %get3A_42 : vector<16xi32>
      %ge3A_723 = arith.cmpi sge, %get3A_718, %get3A_133 : vector<16xi32>
      %sub3A_724 = arith.subi %add3A_722, %broadcast_in_dim3A_183 : vector<16xi32>
      %select_n3A_725 = arith.select %ge3A_723, %sub3A_724, %add3A_722 : vector<16xi1>, vector<16xi32>
      %swap3A_726 = arith.constant 5 : i32
      %swap3A_727 = arith.index_cast %swap3A_726 : i32 to index
      %swap3A_728 = arith.index_cast %mul3A_626 : i32 to index
      %swap3A_729 = tpu.vector_load %arg9[%swap3A_727, %swap3A_728] {strides = array<i32>} : memref<13x1024xi32, #tpu.memory_space<vmem>>, vector<1x16xi32>,
      %swap3A_730 = vector.shape_cast %swap3A_729 : vector<1x16xi32> to vector<16xi32>
      %swap3A_731 = vector.shape_cast %select_n3A_725 : vector<16xi32> to vector<1x16xi32>
      tpu.vector_store %arg9[%swap3A_727, %swap3A_728], %swap3A_731 {strides = array<i32>} : memref<13x1024xi32, #tpu.memory_space<vmem>>, vector<1x16xi32>,
      %get3A_732 = arith.constant 6 : i32
      %get3A_733 = arith.index_cast %get3A_732 : i32 to index
      %get3A_734 = arith.index_cast %mul3A_626 : i32 to index
      %get3A_735 = tpu.vector_load %arg9[%get3A_733, %get3A_734] {strides = array<i32>} : memref<13x1024xi32, #tpu.memory_space<vmem>>, vector<1x16xi32>,
      %get3A_736 = vector.shape_cast %get3A_735 : vector<1x16xi32> to vector<16xi32>
      %mul3A_737 = arith.constant 4 : i32
      %mul3A_738 = vector.broadcast %mul3A_737 : i32 to vector<16xi32>
      %mul3A_739 = arith.muli %get3A_736, %mul3A_738 : vector<16xi32>
      %add3A_740 = arith.addi %mul3A_739, %get3A_49 : vector<16xi32>
      %ge3A_741 = arith.cmpi sge, %get3A_736, %get3A_140 : vector<16xi32>
      %sub3A_742 = arith.subi %add3A_740, %broadcast_in_dim3A_183 : vector<16xi32>
      %select_n3A_743 = arith.select %ge3A_741, %sub3A_742, %add3A_740 : vector<16xi1>, vector<16xi32>
      %swap3A_744 = arith.constant 6 : i32
      %swap3A_745 = arith.index_cast %swap3A_744 : i32 to index
      %swap3A_746 = arith.index_cast %mul3A_626 : i32 to index
      %swap3A_747 = tpu.vector_load %arg9[%swap3A_745, %swap3A_746] {strides = array<i32>} : memref<13x1024xi32, #tpu.memory_space<vmem>>, vector<1x16xi32>,
      %swap3A_748 = vector.shape_cast %swap3A_747 : vector<1x16xi32> to vector<16xi32>
      %swap3A_749 = vector.shape_cast %select_n3A_743 : vector<16xi32> to vector<1x16xi32>
      tpu.vector_store %arg9[%swap3A_745, %swap3A_746], %swap3A_749 {strides = array<i32>} : memref<13x1024xi32, #tpu.memory_space<vmem>>, vector<1x16xi32>,
      %get3A_750 = arith.constant 7 : i32
      %get3A_751 = arith.index_cast %get3A_750 : i32 to index
      %get3A_752 = arith.index_cast %mul3A_626 : i32 to index
      %get3A_753 = tpu.vector_load %arg9[%get3A_751, %get3A_752] {strides = array<i32>} : memref<13x1024xi32, #tpu.memory_space<vmem>>, vector<1x16xi32>,
      %get3A_754 = vector.shape_cast %get3A_753 : vector<1x16xi32> to vector<16xi32>
      %mul3A_755 = arith.constant 4 : i32
      %mul3A_756 = vector.broadcast %mul3A_755 : i32 to vector<16xi32>
      %mul3A_757 = arith.muli %get3A_754, %mul3A_756 : vector<16xi32>
      %add3A_758 = arith.addi %mul3A_757, %get3A_56 : vector<16xi32>
      %ge3A_759 = arith.cmpi sge, %get3A_754, %get3A_147 : vector<16xi32>
      %sub3A_760 = arith.subi %add3A_758, %broadcast_in_dim3A_183 : vector<16xi32>
      %select_n3A_761 = arith.select %ge3A_759, %sub3A_760, %add3A_758 : vector<16xi1>, vector<16xi32>
      %swap3A_762 = arith.constant 7 : i32
      %swap3A_763 = arith.index_cast %swap3A_762 : i32 to index
      %swap3A_764 = arith.index_cast %mul3A_626 : i32 to index
      %swap3A_765 = tpu.vector_load %arg9[%swap3A_763, %swap3A_764] {strides = array<i32>} : memref<13x1024xi32, #tpu.memory_space<vmem>>, vector<1x16xi32>,
      %swap3A_766 = vector.shape_cast %swap3A_765 : vector<1x16xi32> to vector<16xi32>
      %swap3A_767 = vector.shape_cast %select_n3A_761 : vector<16xi32> to vector<1x16xi32>
      tpu.vector_store %arg9[%swap3A_763, %swap3A_764], %swap3A_767 {strides = array<i32>} : memref<13x1024xi32, #tpu.memory_space<vmem>>, vector<1x16xi32>,
      %get3A_768 = arith.constant 8 : i32
      %get3A_769 = arith.index_cast %get3A_768 : i32 to index
      %get3A_770 = arith.index_cast %mul3A_626 : i32 to index
      %get3A_771 = tpu.vector_load %arg9[%get3A_769, %get3A_770] {strides = array<i32>} : memref<13x1024xi32, #tpu.memory_space<vmem>>, vector<1x16xi32>,
      %get3A_772 = vector.shape_cast %get3A_771 : vector<1x16xi32> to vector<16xi32>
      %mul3A_773 = arith.constant 4 : i32
      %mul3A_774 = vector.broadcast %mul3A_773 : i32 to vector<16xi32>
      %mul3A_775 = arith.muli %get3A_772, %mul3A_774 : vector<16xi32>
      %add3A_776 = arith.addi %mul3A_775, %get3A_63 : vector<16xi32>
      %ge3A_777 = arith.cmpi sge, %get3A_772, %get3A_154 : vector<16xi32>
      %sub3A_778 = arith.subi %add3A_776, %broadcast_in_dim3A_183 : vector<16xi32>
      %select_n3A_779 = arith.select %ge3A_777, %sub3A_778, %add3A_776 : vector<16xi1>, vector<16xi32>
      %swap3A_780 = arith.constant 8 : i32
      %swap3A_781 = arith.index_cast %swap3A_780 : i32 to index
      %swap3A_782 = arith.index_cast %mul3A_626 : i32 to index
      %swap3A_783 = tpu.vector_load %arg9[%swap3A_781, %swap3A_782] {strides = array<i32>} : memref<13x1024xi32, #tpu.memory_space<vmem>>, vector<1x16xi32>,
      %swap3A_784 = vector.shape_cast %swap3A_783 : vector<1x16xi32> to vector<16xi32>
      %swap3A_785 = vector.shape_cast %select_n3A_779 : vector<16xi32> to vector<1x16xi32>
      tpu.vector_store %arg9[%swap3A_781, %swap3A_782], %swap3A_785 {strides = array<i32>} : memref<13x1024xi32, #tpu.memory_space<vmem>>, vector<1x16xi32>,
      %get3A_786 = arith.constant 9 : i32
      %get3A_787 = arith.index_cast %get3A_786 : i32 to index
      %get3A_788 = arith.index_cast %mul3A_626 : i32 to index
      %get3A_789 = tpu.vector_load %arg9[%get3A_787, %get3A_788] {strides = array<i32>} : memref<13x1024xi32, #tpu.memory_space<vmem>>, vector<1x16xi32>,
      %get3A_790 = vector.shape_cast %get3A_789 : vector<1x16xi32> to vector<16xi32>
      %mul3A_791 = arith.constant 4 : i32
      %mul3A_792 = vector.broadcast %mul3A_791 : i32 to vector<16xi32>
      %mul3A_793 = arith.muli %get3A_790, %mul3A_792 : vector<16xi32>
      %add3A_794 = arith.addi %mul3A_793, %get3A_70 : vector<16xi32>
      %ge3A_795 = arith.cmpi sge, %get3A_790, %get3A_161 : vector<16xi32>
      %sub3A_796 = arith.subi %add3A_794, %broadcast_in_dim3A_183 : vector<16xi32>
      %select_n3A_797 = arith.select %ge3A_795, %sub3A_796, %add3A_794 : vector<16xi1>, vector<16xi32>
      %swap3A_798 = arith.constant 9 : i32
      %swap3A_799 = arith.index_cast %swap3A_798 : i32 to index
      %swap3A_800 = arith.index_cast %mul3A_626 : i32 to index
      %swap3A_801 = tpu.vector_load %arg9[%swap3A_799, %swap3A_800] {strides = array<i32>} : memref<13x1024xi32, #tpu.memory_space<vmem>>, vector<1x16xi32>,
      %swap3A_802 = vector.shape_cast %swap3A_801 : vector<1x16xi32> to vector<16xi32>
      %swap3A_803 = vector.shape_cast %select_n3A_797 : vector<16xi32> to vector<1x16xi32>
      tpu.vector_store %arg9[%swap3A_799, %swap3A_800], %swap3A_803 {strides = array<i32>} : memref<13x1024xi32, #tpu.memory_space<vmem>>, vector<1x16xi32>,
      %get3A_804 = arith.constant 10 : i32
      %get3A_805 = arith.index_cast %get3A_804 : i32 to index
      %get3A_806 = arith.index_cast %mul3A_626 : i32 to index
      %get3A_807 = tpu.vector_load %arg9[%get3A_805, %get3A_806] {strides = array<i32>} : memref<13x1024xi32, #tpu.memory_space<vmem>>, vector<1x16xi32>,
      %get3A_808 = vector.shape_cast %get3A_807 : vector<1x16xi32> to vector<16xi32>
      %mul3A_809 = arith.constant 4 : i32
      %mul3A_810 = vector.broadcast %mul3A_809 : i32 to vector<16xi32>
      %mul3A_811 = arith.muli %get3A_808, %mul3A_810 : vector<16xi32>
      %add3A_812 = arith.addi %mul3A_811, %get3A_77 : vector<16xi32>
      %ge3A_813 = arith.cmpi sge, %get3A_808, %get3A_168 : vector<16xi32>
      %sub3A_814 = arith.subi %add3A_812, %broadcast_in_dim3A_183 : vector<16xi32>
      %select_n3A_815 = arith.select %ge3A_813, %sub3A_814, %add3A_812 : vector<16xi1>, vector<16xi32>
      %swap3A_816 = arith.constant 10 : i32
      %swap3A_817 = arith.index_cast %swap3A_816 : i32 to index
      %swap3A_818 = arith.index_cast %mul3A_626 : i32 to index
      %swap3A_819 = tpu.vector_load %arg9[%swap3A_817, %swap3A_818] {strides = array<i32>} : memref<13x1024xi32, #tpu.memory_space<vmem>>, vector<1x16xi32>,
      %swap3A_820 = vector.shape_cast %swap3A_819 : vector<1x16xi32> to vector<16xi32>
      %swap3A_821 = vector.shape_cast %select_n3A_815 : vector<16xi32> to vector<1x16xi32>
      tpu.vector_store %arg9[%swap3A_817, %swap3A_818], %swap3A_821 {strides = array<i32>} : memref<13x1024xi32, #tpu.memory_space<vmem>>, vector<1x16xi32>,
      %get3A_822 = arith.constant 11 : i32
      %get3A_823 = arith.index_cast %get3A_822 : i32 to index
      %get3A_824 = arith.index_cast %mul3A_626 : i32 to index
      %get3A_825 = tpu.vector_load %arg9[%get3A_823, %get3A_824] {strides = array<i32>} : memref<13x1024xi32, #tpu.memory_space<vmem>>, vector<1x16xi32>,
      %get3A_826 = vector.shape_cast %get3A_825 : vector<1x16xi32> to vector<16xi32>
      %mul3A_827 = arith.constant 4 : i32
      %mul3A_828 = vector.broadcast %mul3A_827 : i32 to vector<16xi32>
      %mul3A_829 = arith.muli %get3A_826, %mul3A_828 : vector<16xi32>
      %add3A_830 = arith.addi %mul3A_829, %get3A_84 : vector<16xi32>
      %ge3A_831 = arith.cmpi sge, %get3A_826, %get3A_175 : vector<16xi32>
      %sub3A_832 = arith.subi %add3A_830, %broadcast_in_dim3A_183 : vector<16xi32>
      %select_n3A_833 = arith.select %ge3A_831, %sub3A_832, %add3A_830 : vector<16xi1>, vector<16xi32>
      %swap3A_834 = arith.constant 11 : i32
      %swap3A_835 = arith.index_cast %swap3A_834 : i32 to index
      %swap3A_836 = arith.index_cast %mul3A_626 : i32 to index
      %swap3A_837 = tpu.vector_load %arg9[%swap3A_835, %swap3A_836] {strides = array<i32>} : memref<13x1024xi32, #tpu.memory_space<vmem>>, vector<1x16xi32>,
      %swap3A_838 = vector.shape_cast %swap3A_837 : vector<1x16xi32> to vector<16xi32>
      %swap3A_839 = vector.shape_cast %select_n3A_833 : vector<16xi32> to vector<1x16xi32>
      tpu.vector_store %arg9[%swap3A_835, %swap3A_836], %swap3A_839 {strides = array<i32>} : memref<13x1024xi32, #tpu.memory_space<vmem>>, vector<1x16xi32>,
      %get3A_840 = arith.constant 12 : i32
      %get3A_841 = arith.index_cast %get3A_840 : i32 to index
      %get3A_842 = arith.index_cast %mul3A_626 : i32 to index
      %get3A_843 = tpu.vector_load %arg9[%get3A_841, %get3A_842] {strides = array<i32>} : memref<13x1024xi32, #tpu.memory_space<vmem>>, vector<1x16xi32>,
      %get3A_844 = vector.shape_cast %get3A_843 : vector<1x16xi32> to vector<16xi32>
      %mul3A_845 = arith.constant 4 : i32
      %mul3A_846 = vector.broadcast %mul3A_845 : i32 to vector<16xi32>
      %mul3A_847 = arith.muli %get3A_844, %mul3A_846 : vector<16xi32>
      %add3A_848 = arith.addi %mul3A_847, %get3A_91 : vector<16xi32>
      %ge3A_849 = arith.cmpi sge, %get3A_844, %get3A_182 : vector<16xi32>
      %sub3A_850 = arith.subi %add3A_848, %broadcast_in_dim3A_183 : vector<16xi32>
      %select_n3A_851 = arith.select %ge3A_849, %sub3A_850, %add3A_848 : vector<16xi1>, vector<16xi32>
      %swap3A_852 = arith.constant 12 : i32
      %swap3A_853 = arith.index_cast %swap3A_852 : i32 to index
      %swap3A_854 = arith.index_cast %mul3A_626 : i32 to index
      %swap3A_855 = tpu.vector_load %arg9[%swap3A_853, %swap3A_854] {strides = array<i32>} : memref<13x1024xi32, #tpu.memory_space<vmem>>, vector<1x16xi32>,
      %swap3A_856 = vector.shape_cast %swap3A_855 : vector<1x16xi32> to vector<16xi32>
      %swap3A_857 = vector.shape_cast %select_n3A_851 : vector<16xi32> to vector<1x16xi32>
      tpu.vector_store %arg9[%swap3A_853, %swap3A_854], %swap3A_857 {strides = array<i32>} : memref<13x1024xi32, #tpu.memory_space<vmem>>, vector<1x16xi32>,
    }
    %scan3A_188 = arith.constant 64 : i32
    %dma_start3A = arith.constant 0 : i32
    %dma_start3A_189 = arith.constant 0 : i32
    %dma_start3A_190 = tpu.memref_slice %arg9[%dma_start3A, %dma_start3A_189] : memref<13x1024xi32, #tpu.memory_space<vmem>> -> memref<1x1024xi32, #tpu.memory_space<vmem>>
    %dma_start3A_191 = tpu.memref_squeeze %dma_start3A_190 : memref<1x1024xi32, #tpu.memory_space<vmem>> -> memref<1024xi32, #tpu.memory_space<vmem>>
    %dma_start3A_192 = arith.constant 0 : i32
    %dma_start3A_193 = arith.constant 0 : i32
    %dma_start3A_194 = tpu.memref_slice %arg5[%dma_start3A_192, %dma_start3A_193] : memref<2621440x32xf32, #tpu.memory_space<hbm>> -> memref<2621440x32xf32, #tpu.memory_space<hbm>>
    tpu.enqueue_indirect_dma source(%dma_start3A_194 : memref<2621440x32xf32, #tpu.memory_space<hbm>>) target(%arg10 : memref<1024x32xf32, #tpu.memory_space<vmem>>) offsets(%dma_start3A_191 : memref<1024xi32, #tpu.memory_space<vmem>>) semaphore(%arg12 : memref<!tpu.dma_semaphore, #tpu.memory_space<semaphore_mem>>)
    %dma_wait3A = arith.constant 0 : i32
    %dma_wait3A_195 = arith.constant 0 : i32
    %dma_wait3A_196 = tpu.memref_slice %arg9[%dma_wait3A, %dma_wait3A_195] : memref<13x1024xi32, #tpu.memory_space<vmem>> -> memref<1x1024xi32, #tpu.memory_space<vmem>>
    %dma_wait3A_197 = tpu.memref_squeeze %dma_wait3A_196 : memref<1x1024xi32, #tpu.memory_space<vmem>> -> memref<1024xi32, #tpu.memory_space<vmem>>
    %dma_wait3A_198 = arith.constant 0 : i32
    %dma_wait3A_199 = arith.constant 0 : i32
    %dma_wait3A_200 = tpu.memref_slice %arg5[%dma_wait3A_198, %dma_wait3A_199] : memref<2621440x32xf32, #tpu.memory_space<hbm>> -> memref<2621440x32xf32, #tpu.memory_space<hbm>>
    tpu.wait_indirect_dma semaphore(%arg12 : memref<!tpu.dma_semaphore, #tpu.memory_space<semaphore_mem>>) src(%dma_wait3A_200 : memref<2621440x32xf32, #tpu.memory_space<hbm>>) dst(%arg10 : memref<1024x32xf32, #tpu.memory_space<vmem>>)
    %add3A_201 = arith.constant 0 : i32
    %add3A_202 = arith.addi %mul3A_0, %add3A_201 : i32
    %mul3A_203 = arith.constant 16384 : i32
    %mul3A_204 = arith.muli %add3A_202, %mul3A_203 : i32
    %add3A_205 = arith.addi %mul3A_204, %mul3A_2 : i32
    %dma_start3A_206 = arith.constant 0 : i32
    %dma_start3A_207 = tpu.memref_slice %arg6[%add3A_205, %dma_start3A_206] : memref<425984x128xf32, #tpu.memory_space<hbm>> -> memref<1024x32xf32, #tpu.memory_space<hbm>>
    %dma_start3A_208 = arith.constant 0 : i32
    %dma_start3A_209 = tpu.memref_slice %arg6[%add3A_205, %dma_start3A_208] : memref<425984x128xf32, #tpu.memory_space<hbm>> -> memref<1024x32xf32, #tpu.memory_space<hbm>>
    tpu.enqueue_dma source(%arg10 : memref<1024x32xf32, #tpu.memory_space<vmem>>) target(%dma_start3A_209 : memref<1024x32xf32, #tpu.memory_space<hbm>>) target_semaphore(%arg14 : memref<!tpu.dma_semaphore, #tpu.memory_space<semaphore_mem>>)
    %dma_start3A_210 = arith.constant 1 : i32
    %dma_start3A_211 = arith.constant 0 : i32
    %dma_start3A_212 = tpu.memref_slice %arg9[%dma_start3A_210, %dma_start3A_211] : memref<13x1024xi32, #tpu.memory_space<vmem>> -> memref<1x1024xi32, #tpu.memory_space<vmem>>
    %dma_start3A_213 = tpu.memref_squeeze %dma_start3A_212 : memref<1x1024xi32, #tpu.memory_space<vmem>> -> memref<1024xi32, #tpu.memory_space<vmem>>
    %dma_start3A_214 = arith.constant 0 : i32
    %dma_start3A_215 = arith.constant 0 : i32
    %dma_start3A_216 = tpu.memref_slice %arg5[%dma_start3A_214, %dma_start3A_215] : memref<2621440x32xf32, #tpu.memory_space<hbm>> -> memref<2621440x32xf32, #tpu.memory_space<hbm>>
    tpu.enqueue_indirect_dma source(%dma_start3A_216 : memref<2621440x32xf32, #tpu.memory_space<hbm>>) target(%arg11 : memref<1024x32xf32, #tpu.memory_space<vmem>>) offsets(%dma_start3A_213 : memref<1024xi32, #tpu.memory_space<vmem>>) semaphore(%arg13 : memref<!tpu.dma_semaphore, #tpu.memory_space<semaphore_mem>>)
    %dma_wait3A_217 = arith.constant 1 : i32
    %dma_wait3A_218 = arith.constant 0 : i32
    %dma_wait3A_219 = tpu.memref_slice %arg9[%dma_wait3A_217, %dma_wait3A_218] : memref<13x1024xi32, #tpu.memory_space<vmem>> -> memref<1x1024xi32, #tpu.memory_space<vmem>>
    %dma_wait3A_220 = tpu.memref_squeeze %dma_wait3A_219 : memref<1x1024xi32, #tpu.memory_space<vmem>> -> memref<1024xi32, #tpu.memory_space<vmem>>
    %dma_wait3A_221 = arith.constant 0 : i32
    %dma_wait3A_222 = arith.constant 0 : i32
    %dma_wait3A_223 = tpu.memref_slice %arg5[%dma_wait3A_221, %dma_wait3A_222] : memref<2621440x32xf32, #tpu.memory_space<hbm>> -> memref<2621440x32xf32, #tpu.memory_space<hbm>>
    tpu.wait_indirect_dma semaphore(%arg13 : memref<!tpu.dma_semaphore, #tpu.memory_space<semaphore_mem>>) src(%dma_wait3A_223 : memref<2621440x32xf32, #tpu.memory_space<hbm>>) dst(%arg11 : memref<1024x32xf32, #tpu.memory_space<vmem>>)
    %add3A_224 = arith.constant 1 : i32
    %add3A_225 = arith.addi %mul3A_0, %add3A_224 : i32
    %mul3A_226 = arith.constant 16384 : i32
    %mul3A_227 = arith.muli %add3A_225, %mul3A_226 : i32
    %add3A_228 = arith.addi %mul3A_227, %mul3A_2 : i32
    %dma_start3A_229 = arith.constant 0 : i32
    %dma_start3A_230 = tpu.memref_slice %arg6[%add3A_228, %dma_start3A_229] : memref<425984x128xf32, #tpu.memory_space<hbm>> -> memref<1024x32xf32, #tpu.memory_space<hbm>>
    %dma_start3A_231 = arith.constant 0 : i32
    %dma_start3A_232 = tpu.memref_slice %arg6[%add3A_228, %dma_start3A_231] : memref<425984x128xf32, #tpu.memory_space<hbm>> -> memref<1024x32xf32, #tpu.memory_space<hbm>>
    tpu.enqueue_dma source(%arg11 : memref<1024x32xf32, #tpu.memory_space<vmem>>) target(%dma_start3A_232 : memref<1024x32xf32, #tpu.memory_space<hbm>>) target_semaphore(%arg15 : memref<!tpu.dma_semaphore, #tpu.memory_space<semaphore_mem>>)
    %add3A_233 = arith.constant 2 : i32
    %add3A_234 = arith.addi %mul3A_0, %add3A_233 : i32
    %sub3A = arith.constant 2 : i32
    %sub3A_235 = arith.subi %add3A_234, %sub3A : i32
    %mul3A_236 = arith.constant 16384 : i32
    %mul3A_237 = arith.muli %sub3A_235, %mul3A_236 : i32
    %add3A_238 = arith.addi %mul3A_237, %mul3A_2 : i32
    %dma_wait3A_239 = arith.constant 0 : i32
    %dma_wait3A_240 = tpu.memref_slice %arg6[%add3A_238, %dma_wait3A_239] : memref<425984x128xf32, #tpu.memory_space<hbm>> -> memref<1024x32xf32, #tpu.memory_space<hbm>>
    %dma_wait3A_241 = arith.constant 0 : i32
    %dma_wait3A_242 = tpu.memref_slice %arg6[%add3A_238, %dma_wait3A_241] : memref<425984x128xf32, #tpu.memory_space<hbm>> -> memref<1024x32xf32, #tpu.memory_space<hbm>>
    tpu.wait_dma2 semaphore(%arg14 : memref<!tpu.dma_semaphore, #tpu.memory_space<semaphore_mem>>) src(%arg10 : memref<1024x32xf32, #tpu.memory_space<vmem>>) dst(%dma_wait3A_242 : memref<1024x32xf32, #tpu.memory_space<hbm>>)
    %dma_start3A_243 = arith.constant 2 : i32
    %dma_start3A_244 = arith.constant 0 : i32
    %dma_start3A_245 = tpu.memref_slice %arg9[%dma_start3A_243, %dma_start3A_244] : memref<13x1024xi32, #tpu.memory_space<vmem>> -> memref<1x1024xi32, #tpu.memory_space<vmem>>
    %dma_start3A_246 = tpu.memref_squeeze %dma_start3A_245 : memref<1x1024xi32, #tpu.memory_space<vmem>> -> memref<1024xi32, #tpu.memory_space<vmem>>
    %dma_start3A_247 = arith.constant 0 : i32
    %dma_start3A_248 = arith.constant 0 : i32
    %dma_start3A_249 = tpu.memref_slice %arg5[%dma_start3A_247, %dma_start3A_248] : memref<2621440x32xf32, #tpu.memory_space<hbm>> -> memref<2621440x32xf32, #tpu.memory_space<hbm>>
    tpu.enqueue_indirect_dma source(%dma_start3A_249 : memref<2621440x32xf32, #tpu.memory_space<hbm>>) target(%arg10 : memref<1024x32xf32, #tpu.memory_space<vmem>>) offsets(%dma_start3A_246 : memref<1024xi32, #tpu.memory_space<vmem>>) semaphore(%arg12 : memref<!tpu.dma_semaphore, #tpu.memory_space<semaphore_mem>>)
    %dma_wait3A_250 = arith.constant 2 : i32
    %dma_wait3A_251 = arith.constant 0 : i32
    %dma_wait3A_252 = tpu.memref_slice %arg9[%dma_wait3A_250, %dma_wait3A_251] : memref<13x1024xi32, #tpu.memory_space<vmem>> -> memref<1x1024xi32, #tpu.memory_space<vmem>>
    %dma_wait3A_253 = tpu.memref_squeeze %dma_wait3A_252 : memref<1x1024xi32, #tpu.memory_space<vmem>> -> memref<1024xi32, #tpu.memory_space<vmem>>
    %dma_wait3A_254 = arith.constant 0 : i32
    %dma_wait3A_255 = arith.constant 0 : i32
    %dma_wait3A_256 = tpu.memref_slice %arg5[%dma_wait3A_254, %dma_wait3A_255] : memref<2621440x32xf32, #tpu.memory_space<hbm>> -> memref<2621440x32xf32, #tpu.memory_space<hbm>>
    tpu.wait_indirect_dma semaphore(%arg12 : memref<!tpu.dma_semaphore, #tpu.memory_space<semaphore_mem>>) src(%dma_wait3A_256 : memref<2621440x32xf32, #tpu.memory_space<hbm>>) dst(%arg10 : memref<1024x32xf32, #tpu.memory_space<vmem>>)
    %add3A_257 = arith.constant 2 : i32
    %add3A_258 = arith.addi %mul3A_0, %add3A_257 : i32
    %mul3A_259 = arith.constant 16384 : i32
    %mul3A_260 = arith.muli %add3A_258, %mul3A_259 : i32
    %add3A_261 = arith.addi %mul3A_260, %mul3A_2 : i32
    %dma_start3A_262 = arith.constant 0 : i32
    %dma_start3A_263 = tpu.memref_slice %arg6[%add3A_261, %dma_start3A_262] : memref<425984x128xf32, #tpu.memory_space<hbm>> -> memref<1024x32xf32, #tpu.memory_space<hbm>>
    %dma_start3A_264 = arith.constant 0 : i32
    %dma_start3A_265 = tpu.memref_slice %arg6[%add3A_261, %dma_start3A_264] : memref<425984x128xf32, #tpu.memory_space<hbm>> -> memref<1024x32xf32, #tpu.memory_space<hbm>>
    tpu.enqueue_dma source(%arg10 : memref<1024x32xf32, #tpu.memory_space<vmem>>) target(%dma_start3A_265 : memref<1024x32xf32, #tpu.memory_space<hbm>>) target_semaphore(%arg14 : memref<!tpu.dma_semaphore, #tpu.memory_space<semaphore_mem>>)
    %add3A_266 = arith.constant 3 : i32
    %add3A_267 = arith.addi %mul3A_0, %add3A_266 : i32
    %sub3A_268 = arith.constant 2 : i32
    %sub3A_269 = arith.subi %add3A_267, %sub3A_268 : i32
    %mul3A_270 = arith.constant 16384 : i32
    %mul3A_271 = arith.muli %sub3A_269, %mul3A_270 : i32
    %add3A_272 = arith.addi %mul3A_271, %mul3A_2 : i32
    %dma_wait3A_273 = arith.constant 0 : i32
    %dma_wait3A_274 = tpu.memref_slice %arg6[%add3A_272, %dma_wait3A_273] : memref<425984x128xf32, #tpu.memory_space<hbm>> -> memref<1024x32xf32, #tpu.memory_space<hbm>>
    %dma_wait3A_275 = arith.constant 0 : i32
    %dma_wait3A_276 = tpu.memref_slice %arg6[%add3A_272, %dma_wait3A_275] : memref<425984x128xf32, #tpu.memory_space<hbm>> -> memref<1024x32xf32, #tpu.memory_space<hbm>>
    tpu.wait_dma2 semaphore(%arg15 : memref<!tpu.dma_semaphore, #tpu.memory_space<semaphore_mem>>) src(%arg11 : memref<1024x32xf32, #tpu.memory_space<vmem>>) dst(%dma_wait3A_276 : memref<1024x32xf32, #tpu.memory_space<hbm>>)
    %dma_start3A_277 = arith.constant 3 : i32
    %dma_start3A_278 = arith.constant 0 : i32
    %dma_start3A_279 = tpu.memref_slice %arg9[%dma_start3A_277, %dma_start3A_278] : memref<13x1024xi32, #tpu.memory_space<vmem>> -> memref<1x1024xi32, #tpu.memory_space<vmem>>
    %dma_start3A_280 = tpu.memref_squeeze %dma_start3A_279 : memref<1x1024xi32, #tpu.memory_space<vmem>> -> memref<1024xi32, #tpu.memory_space<vmem>>
    %dma_start3A_281 = arith.constant 0 : i32
    %dma_start3A_282 = arith.constant 0 : i32
    %dma_start3A_283 = tpu.memref_slice %arg5[%dma_start3A_281, %dma_start3A_282] : memref<2621440x32xf32, #tpu.memory_space<hbm>> -> memref<2621440x32xf32, #tpu.memory_space<hbm>>
    tpu.enqueue_indirect_dma source(%dma_start3A_283 : memref<2621440x32xf32, #tpu.memory_space<hbm>>) target(%arg11 : memref<1024x32xf32, #tpu.memory_space<vmem>>) offsets(%dma_start3A_280 : memref<1024xi32, #tpu.memory_space<vmem>>) semaphore(%arg13 : memref<!tpu.dma_semaphore, #tpu.memory_space<semaphore_mem>>)
    %dma_wait3A_284 = arith.constant 3 : i32
    %dma_wait3A_285 = arith.constant 0 : i32
    %dma_wait3A_286 = tpu.memref_slice %arg9[%dma_wait3A_284, %dma_wait3A_285] : memref<13x1024xi32, #tpu.memory_space<vmem>> -> memref<1x1024xi32, #tpu.memory_space<vmem>>
    %dma_wait3A_287 = tpu.memref_squeeze %dma_wait3A_286 : memref<1x1024xi32, #tpu.memory_space<vmem>> -> memref<1024xi32, #tpu.memory_space<vmem>>
    %dma_wait3A_288 = arith.constant 0 : i32
    %dma_wait3A_289 = arith.constant 0 : i32
    %dma_wait3A_290 = tpu.memref_slice %arg5[%dma_wait3A_288, %dma_wait3A_289] : memref<2621440x32xf32, #tpu.memory_space<hbm>> -> memref<2621440x32xf32, #tpu.memory_space<hbm>>
    tpu.wait_indirect_dma semaphore(%arg13 : memref<!tpu.dma_semaphore, #tpu.memory_space<semaphore_mem>>) src(%dma_wait3A_290 : memref<2621440x32xf32, #tpu.memory_space<hbm>>) dst(%arg11 : memref<1024x32xf32, #tpu.memory_space<vmem>>)
    %add3A_291 = arith.constant 3 : i32
    %add3A_292 = arith.addi %mul3A_0, %add3A_291 : i32
    %mul3A_293 = arith.constant 16384 : i32
    %mul3A_294 = arith.muli %add3A_292, %mul3A_293 : i32
    %add3A_295 = arith.addi %mul3A_294, %mul3A_2 : i32
    %dma_start3A_296 = arith.constant 0 : i32
    %dma_start3A_297 = tpu.memref_slice %arg6[%add3A_295, %dma_start3A_296] : memref<425984x128xf32, #tpu.memory_space<hbm>> -> memref<1024x32xf32, #tpu.memory_space<hbm>>
    %dma_start3A_298 = arith.constant 0 : i32
    %dma_start3A_299 = tpu.memref_slice %arg6[%add3A_295, %dma_start3A_298] : memref<425984x128xf32, #tpu.memory_space<hbm>> -> memref<1024x32xf32, #tpu.memory_space<hbm>>
    tpu.enqueue_dma source(%arg11 : memref<1024x32xf32, #tpu.memory_space<vmem>>) target(%dma_start3A_299 : memref<1024x32xf32, #tpu.memory_space<hbm>>) target_semaphore(%arg15 : memref<!tpu.dma_semaphore, #tpu.memory_space<semaphore_mem>>)
    %add3A_300 = arith.constant 4 : i32
    %add3A_301 = arith.addi %mul3A_0, %add3A_300 : i32
    %sub3A_302 = arith.constant 2 : i32
    %sub3A_303 = arith.subi %add3A_301, %sub3A_302 : i32
    %mul3A_304 = arith.constant 16384 : i32
    %mul3A_305 = arith.muli %sub3A_303, %mul3A_304 : i32
    %add3A_306 = arith.addi %mul3A_305, %mul3A_2 : i32
    %dma_wait3A_307 = arith.constant 0 : i32
    %dma_wait3A_308 = tpu.memref_slice %arg6[%add3A_306, %dma_wait3A_307] : memref<425984x128xf32, #tpu.memory_space<hbm>> -> memref<1024x32xf32, #tpu.memory_space<hbm>>
    %dma_wait3A_309 = arith.constant 0 : i32
    %dma_wait3A_310 = tpu.memref_slice %arg6[%add3A_306, %dma_wait3A_309] : memref<425984x128xf32, #tpu.memory_space<hbm>> -> memref<1024x32xf32, #tpu.memory_space<hbm>>
    tpu.wait_dma2 semaphore(%arg14 : memref<!tpu.dma_semaphore, #tpu.memory_space<semaphore_mem>>) src(%arg10 : memref<1024x32xf32, #tpu.memory_space<vmem>>) dst(%dma_wait3A_310 : memref<1024x32xf32, #tpu.memory_space<hbm>>)
    %dma_start3A_311 = arith.constant 4 : i32
    %dma_start3A_312 = arith.constant 0 : i32
    %dma_start3A_313 = tpu.memref_slice %arg9[%dma_start3A_311, %dma_start3A_312] : memref<13x1024xi32, #tpu.memory_space<vmem>> -> memref<1x1024xi32, #tpu.memory_space<vmem>>
    %dma_start3A_314 = tpu.memref_squeeze %dma_start3A_313 : memref<1x1024xi32, #tpu.memory_space<vmem>> -> memref<1024xi32, #tpu.memory_space<vmem>>
    %dma_start3A_315 = arith.constant 0 : i32
    %dma_start3A_316 = arith.constant 0 : i32
    %dma_start3A_317 = tpu.memref_slice %arg5[%dma_start3A_315, %dma_start3A_316] : memref<2621440x32xf32, #tpu.memory_space<hbm>> -> memref<2621440x32xf32, #tpu.memory_space<hbm>>
    tpu.enqueue_indirect_dma source(%dma_start3A_317 : memref<2621440x32xf32, #tpu.memory_space<hbm>>) target(%arg10 : memref<1024x32xf32, #tpu.memory_space<vmem>>) offsets(%dma_start3A_314 : memref<1024xi32, #tpu.memory_space<vmem>>) semaphore(%arg12 : memref<!tpu.dma_semaphore, #tpu.memory_space<semaphore_mem>>)
    %dma_wait3A_318 = arith.constant 4 : i32
    %dma_wait3A_319 = arith.constant 0 : i32
    %dma_wait3A_320 = tpu.memref_slice %arg9[%dma_wait3A_318, %dma_wait3A_319] : memref<13x1024xi32, #tpu.memory_space<vmem>> -> memref<1x1024xi32, #tpu.memory_space<vmem>>
    %dma_wait3A_321 = tpu.memref_squeeze %dma_wait3A_320 : memref<1x1024xi32, #tpu.memory_space<vmem>> -> memref<1024xi32, #tpu.memory_space<vmem>>
    %dma_wait3A_322 = arith.constant 0 : i32
    %dma_wait3A_323 = arith.constant 0 : i32
    %dma_wait3A_324 = tpu.memref_slice %arg5[%dma_wait3A_322, %dma_wait3A_323] : memref<2621440x32xf32, #tpu.memory_space<hbm>> -> memref<2621440x32xf32, #tpu.memory_space<hbm>>
    tpu.wait_indirect_dma semaphore(%arg12 : memref<!tpu.dma_semaphore, #tpu.memory_space<semaphore_mem>>) src(%dma_wait3A_324 : memref<2621440x32xf32, #tpu.memory_space<hbm>>) dst(%arg10 : memref<1024x32xf32, #tpu.memory_space<vmem>>)
    %add3A_325 = arith.constant 4 : i32
    %add3A_326 = arith.addi %mul3A_0, %add3A_325 : i32
    %mul3A_327 = arith.constant 16384 : i32
    %mul3A_328 = arith.muli %add3A_326, %mul3A_327 : i32
    %add3A_329 = arith.addi %mul3A_328, %mul3A_2 : i32
    %dma_start3A_330 = arith.constant 0 : i32
    %dma_start3A_331 = tpu.memref_slice %arg6[%add3A_329, %dma_start3A_330] : memref<425984x128xf32, #tpu.memory_space<hbm>> -> memref<1024x32xf32, #tpu.memory_space<hbm>>
    %dma_start3A_332 = arith.constant 0 : i32
    %dma_start3A_333 = tpu.memref_slice %arg6[%add3A_329, %dma_start3A_332] : memref<425984x128xf32, #tpu.memory_space<hbm>> -> memref<1024x32xf32, #tpu.memory_space<hbm>>
    tpu.enqueue_dma source(%arg10 : memref<1024x32xf32, #tpu.memory_space<vmem>>) target(%dma_start3A_333 : memref<1024x32xf32, #tpu.memory_space<hbm>>) target_semaphore(%arg14 : memref<!tpu.dma_semaphore, #tpu.memory_space<semaphore_mem>>)
    %add3A_334 = arith.constant 5 : i32
    %add3A_335 = arith.addi %mul3A_0, %add3A_334 : i32
    %sub3A_336 = arith.constant 2 : i32
    %sub3A_337 = arith.subi %add3A_335, %sub3A_336 : i32
    %mul3A_338 = arith.constant 16384 : i32
    %mul3A_339 = arith.muli %sub3A_337, %mul3A_338 : i32
    %add3A_340 = arith.addi %mul3A_339, %mul3A_2 : i32
    %dma_wait3A_341 = arith.constant 0 : i32
    %dma_wait3A_342 = tpu.memref_slice %arg6[%add3A_340, %dma_wait3A_341] : memref<425984x128xf32, #tpu.memory_space<hbm>> -> memref<1024x32xf32, #tpu.memory_space<hbm>>
    %dma_wait3A_343 = arith.constant 0 : i32
    %dma_wait3A_344 = tpu.memref_slice %arg6[%add3A_340, %dma_wait3A_343] : memref<425984x128xf32, #tpu.memory_space<hbm>> -> memref<1024x32xf32, #tpu.memory_space<hbm>>
    tpu.wait_dma2 semaphore(%arg15 : memref<!tpu.dma_semaphore, #tpu.memory_space<semaphore_mem>>) src(%arg11 : memref<1024x32xf32, #tpu.memory_space<vmem>>) dst(%dma_wait3A_344 : memref<1024x32xf32, #tpu.memory_space<hbm>>)
    %dma_start3A_345 = arith.constant 5 : i32
    %dma_start3A_346 = arith.constant 0 : i32
    %dma_start3A_347 = tpu.memref_slice %arg9[%dma_start3A_345, %dma_start3A_346] : memref<13x1024xi32, #tpu.memory_space<vmem>> -> memref<1x1024xi32, #tpu.memory_space<vmem>>
    %dma_start3A_348 = tpu.memref_squeeze %dma_start3A_347 : memref<1x1024xi32, #tpu.memory_space<vmem>> -> memref<1024xi32, #tpu.memory_space<vmem>>
    %dma_start3A_349 = arith.constant 0 : i32
    %dma_start3A_350 = arith.constant 0 : i32
    %dma_start3A_351 = tpu.memref_slice %arg5[%dma_start3A_349, %dma_start3A_350] : memref<2621440x32xf32, #tpu.memory_space<hbm>> -> memref<2621440x32xf32, #tpu.memory_space<hbm>>
    tpu.enqueue_indirect_dma source(%dma_start3A_351 : memref<2621440x32xf32, #tpu.memory_space<hbm>>) target(%arg11 : memref<1024x32xf32, #tpu.memory_space<vmem>>) offsets(%dma_start3A_348 : memref<1024xi32, #tpu.memory_space<vmem>>) semaphore(%arg13 : memref<!tpu.dma_semaphore, #tpu.memory_space<semaphore_mem>>)
    %dma_wait3A_352 = arith.constant 5 : i32
    %dma_wait3A_353 = arith.constant 0 : i32
    %dma_wait3A_354 = tpu.memref_slice %arg9[%dma_wait3A_352, %dma_wait3A_353] : memref<13x1024xi32, #tpu.memory_space<vmem>> -> memref<1x1024xi32, #tpu.memory_space<vmem>>
    %dma_wait3A_355 = tpu.memref_squeeze %dma_wait3A_354 : memref<1x1024xi32, #tpu.memory_space<vmem>> -> memref<1024xi32, #tpu.memory_space<vmem>>
    %dma_wait3A_356 = arith.constant 0 : i32
    %dma_wait3A_357 = arith.constant 0 : i32
    %dma_wait3A_358 = tpu.memref_slice %arg5[%dma_wait3A_356, %dma_wait3A_357] : memref<2621440x32xf32, #tpu.memory_space<hbm>> -> memref<2621440x32xf32, #tpu.memory_space<hbm>>
    tpu.wait_indirect_dma semaphore(%arg13 : memref<!tpu.dma_semaphore, #tpu.memory_space<semaphore_mem>>) src(%dma_wait3A_358 : memref<2621440x32xf32, #tpu.memory_space<hbm>>) dst(%arg11 : memref<1024x32xf32, #tpu.memory_space<vmem>>)
    %add3A_359 = arith.constant 5 : i32
    %add3A_360 = arith.addi %mul3A_0, %add3A_359 : i32
    %mul3A_361 = arith.constant 16384 : i32
    %mul3A_362 = arith.muli %add3A_360, %mul3A_361 : i32
    %add3A_363 = arith.addi %mul3A_362, %mul3A_2 : i32
    %dma_start3A_364 = arith.constant 0 : i32
    %dma_start3A_365 = tpu.memref_slice %arg6[%add3A_363, %dma_start3A_364] : memref<425984x128xf32, #tpu.memory_space<hbm>> -> memref<1024x32xf32, #tpu.memory_space<hbm>>
    %dma_start3A_366 = arith.constant 0 : i32
    %dma_start3A_367 = tpu.memref_slice %arg6[%add3A_363, %dma_start3A_366] : memref<425984x128xf32, #tpu.memory_space<hbm>> -> memref<1024x32xf32, #tpu.memory_space<hbm>>
    tpu.enqueue_dma source(%arg11 : memref<1024x32xf32, #tpu.memory_space<vmem>>) target(%dma_start3A_367 : memref<1024x32xf32, #tpu.memory_space<hbm>>) target_semaphore(%arg15 : memref<!tpu.dma_semaphore, #tpu.memory_space<semaphore_mem>>)
    %add3A_368 = arith.constant 6 : i32
    %add3A_369 = arith.addi %mul3A_0, %add3A_368 : i32
    %sub3A_370 = arith.constant 2 : i32
    %sub3A_371 = arith.subi %add3A_369, %sub3A_370 : i32
    %mul3A_372 = arith.constant 16384 : i32
    %mul3A_373 = arith.muli %sub3A_371, %mul3A_372 : i32
    %add3A_374 = arith.addi %mul3A_373, %mul3A_2 : i32
    %dma_wait3A_375 = arith.constant 0 : i32
    %dma_wait3A_376 = tpu.memref_slice %arg6[%add3A_374, %dma_wait3A_375] : memref<425984x128xf32, #tpu.memory_space<hbm>> -> memref<1024x32xf32, #tpu.memory_space<hbm>>
    %dma_wait3A_377 = arith.constant 0 : i32
    %dma_wait3A_378 = tpu.memref_slice %arg6[%add3A_374, %dma_wait3A_377] : memref<425984x128xf32, #tpu.memory_space<hbm>> -> memref<1024x32xf32, #tpu.memory_space<hbm>>
    tpu.wait_dma2 semaphore(%arg14 : memref<!tpu.dma_semaphore, #tpu.memory_space<semaphore_mem>>) src(%arg10 : memref<1024x32xf32, #tpu.memory_space<vmem>>) dst(%dma_wait3A_378 : memref<1024x32xf32, #tpu.memory_space<hbm>>)
    %dma_start3A_379 = arith.constant 6 : i32
    %dma_start3A_380 = arith.constant 0 : i32
    %dma_start3A_381 = tpu.memref_slice %arg9[%dma_start3A_379, %dma_start3A_380] : memref<13x1024xi32, #tpu.memory_space<vmem>> -> memref<1x1024xi32, #tpu.memory_space<vmem>>
    %dma_start3A_382 = tpu.memref_squeeze %dma_start3A_381 : memref<1x1024xi32, #tpu.memory_space<vmem>> -> memref<1024xi32, #tpu.memory_space<vmem>>
    %dma_start3A_383 = arith.constant 0 : i32
    %dma_start3A_384 = arith.constant 0 : i32
    %dma_start3A_385 = tpu.memref_slice %arg5[%dma_start3A_383, %dma_start3A_384] : memref<2621440x32xf32, #tpu.memory_space<hbm>> -> memref<2621440x32xf32, #tpu.memory_space<hbm>>
    tpu.enqueue_indirect_dma source(%dma_start3A_385 : memref<2621440x32xf32, #tpu.memory_space<hbm>>) target(%arg10 : memref<1024x32xf32, #tpu.memory_space<vmem>>) offsets(%dma_start3A_382 : memref<1024xi32, #tpu.memory_space<vmem>>) semaphore(%arg12 : memref<!tpu.dma_semaphore, #tpu.memory_space<semaphore_mem>>)
    %dma_wait3A_386 = arith.constant 6 : i32
    %dma_wait3A_387 = arith.constant 0 : i32
    %dma_wait3A_388 = tpu.memref_slice %arg9[%dma_wait3A_386, %dma_wait3A_387] : memref<13x1024xi32, #tpu.memory_space<vmem>> -> memref<1x1024xi32, #tpu.memory_space<vmem>>
    %dma_wait3A_389 = tpu.memref_squeeze %dma_wait3A_388 : memref<1x1024xi32, #tpu.memory_space<vmem>> -> memref<1024xi32, #tpu.memory_space<vmem>>
    %dma_wait3A_390 = arith.constant 0 : i32
    %dma_wait3A_391 = arith.constant 0 : i32
    %dma_wait3A_392 = tpu.memref_slice %arg5[%dma_wait3A_390, %dma_wait3A_391] : memref<2621440x32xf32, #tpu.memory_space<hbm>> -> memref<2621440x32xf32, #tpu.memory_space<hbm>>
    tpu.wait_indirect_dma semaphore(%arg12 : memref<!tpu.dma_semaphore, #tpu.memory_space<semaphore_mem>>) src(%dma_wait3A_392 : memref<2621440x32xf32, #tpu.memory_space<hbm>>) dst(%arg10 : memref<1024x32xf32, #tpu.memory_space<vmem>>)
    %add3A_393 = arith.constant 6 : i32
    %add3A_394 = arith.addi %mul3A_0, %add3A_393 : i32
    %mul3A_395 = arith.constant 16384 : i32
    %mul3A_396 = arith.muli %add3A_394, %mul3A_395 : i32
    %add3A_397 = arith.addi %mul3A_396, %mul3A_2 : i32
    %dma_start3A_398 = arith.constant 0 : i32
    %dma_start3A_399 = tpu.memref_slice %arg6[%add3A_397, %dma_start3A_398] : memref<425984x128xf32, #tpu.memory_space<hbm>> -> memref<1024x32xf32, #tpu.memory_space<hbm>>
    %dma_start3A_400 = arith.constant 0 : i32
    %dma_start3A_401 = tpu.memref_slice %arg6[%add3A_397, %dma_start3A_400] : memref<425984x128xf32, #tpu.memory_space<hbm>> -> memref<1024x32xf32, #tpu.memory_space<hbm>>
    tpu.enqueue_dma source(%arg10 : memref<1024x32xf32, #tpu.memory_space<vmem>>) target(%dma_start3A_401 : memref<1024x32xf32, #tpu.memory_space<hbm>>) target_semaphore(%arg14 : memref<!tpu.dma_semaphore, #tpu.memory_space<semaphore_mem>>)
    %add3A_402 = arith.constant 7 : i32
    %add3A_403 = arith.addi %mul3A_0, %add3A_402 : i32
    %sub3A_404 = arith.constant 2 : i32
    %sub3A_405 = arith.subi %add3A_403, %sub3A_404 : i32
    %mul3A_406 = arith.constant 16384 : i32
    %mul3A_407 = arith.muli %sub3A_405, %mul3A_406 : i32
    %add3A_408 = arith.addi %mul3A_407, %mul3A_2 : i32
    %dma_wait3A_409 = arith.constant 0 : i32
    %dma_wait3A_410 = tpu.memref_slice %arg6[%add3A_408, %dma_wait3A_409] : memref<425984x128xf32, #tpu.memory_space<hbm>> -> memref<1024x32xf32, #tpu.memory_space<hbm>>
    %dma_wait3A_411 = arith.constant 0 : i32
    %dma_wait3A_412 = tpu.memref_slice %arg6[%add3A_408, %dma_wait3A_411] : memref<425984x128xf32, #tpu.memory_space<hbm>> -> memref<1024x32xf32, #tpu.memory_space<hbm>>
    tpu.wait_dma2 semaphore(%arg15 : memref<!tpu.dma_semaphore, #tpu.memory_space<semaphore_mem>>) src(%arg11 : memref<1024x32xf32, #tpu.memory_space<vmem>>) dst(%dma_wait3A_412 : memref<1024x32xf32, #tpu.memory_space<hbm>>)
    %dma_start3A_413 = arith.constant 7 : i32
    %dma_start3A_414 = arith.constant 0 : i32
    %dma_start3A_415 = tpu.memref_slice %arg9[%dma_start3A_413, %dma_start3A_414] : memref<13x1024xi32, #tpu.memory_space<vmem>> -> memref<1x1024xi32, #tpu.memory_space<vmem>>
    %dma_start3A_416 = tpu.memref_squeeze %dma_start3A_415 : memref<1x1024xi32, #tpu.memory_space<vmem>> -> memref<1024xi32, #tpu.memory_space<vmem>>
    %dma_start3A_417 = arith.constant 0 : i32
    %dma_start3A_418 = arith.constant 0 : i32
    %dma_start3A_419 = tpu.memref_slice %arg5[%dma_start3A_417, %dma_start3A_418] : memref<2621440x32xf32, #tpu.memory_space<hbm>> -> memref<2621440x32xf32, #tpu.memory_space<hbm>>
    tpu.enqueue_indirect_dma source(%dma_start3A_419 : memref<2621440x32xf32, #tpu.memory_space<hbm>>) target(%arg11 : memref<1024x32xf32, #tpu.memory_space<vmem>>) offsets(%dma_start3A_416 : memref<1024xi32, #tpu.memory_space<vmem>>) semaphore(%arg13 : memref<!tpu.dma_semaphore, #tpu.memory_space<semaphore_mem>>)
    %dma_wait3A_420 = arith.constant 7 : i32
    %dma_wait3A_421 = arith.constant 0 : i32
    %dma_wait3A_422 = tpu.memref_slice %arg9[%dma_wait3A_420, %dma_wait3A_421] : memref<13x1024xi32, #tpu.memory_space<vmem>> -> memref<1x1024xi32, #tpu.memory_space<vmem>>
    %dma_wait3A_423 = tpu.memref_squeeze %dma_wait3A_422 : memref<1x1024xi32, #tpu.memory_space<vmem>> -> memref<1024xi32, #tpu.memory_space<vmem>>
    %dma_wait3A_424 = arith.constant 0 : i32
    %dma_wait3A_425 = arith.constant 0 : i32
    %dma_wait3A_426 = tpu.memref_slice %arg5[%dma_wait3A_424, %dma_wait3A_425] : memref<2621440x32xf32, #tpu.memory_space<hbm>> -> memref<2621440x32xf32, #tpu.memory_space<hbm>>
    tpu.wait_indirect_dma semaphore(%arg13 : memref<!tpu.dma_semaphore, #tpu.memory_space<semaphore_mem>>) src(%dma_wait3A_426 : memref<2621440x32xf32, #tpu.memory_space<hbm>>) dst(%arg11 : memref<1024x32xf32, #tpu.memory_space<vmem>>)
    %add3A_427 = arith.constant 7 : i32
    %add3A_428 = arith.addi %mul3A_0, %add3A_427 : i32
    %mul3A_429 = arith.constant 16384 : i32
    %mul3A_430 = arith.muli %add3A_428, %mul3A_429 : i32
    %add3A_431 = arith.addi %mul3A_430, %mul3A_2 : i32
    %dma_start3A_432 = arith.constant 0 : i32
    %dma_start3A_433 = tpu.memref_slice %arg6[%add3A_431, %dma_start3A_432] : memref<425984x128xf32, #tpu.memory_space<hbm>> -> memref<1024x32xf32, #tpu.memory_space<hbm>>
    %dma_start3A_434 = arith.constant 0 : i32
    %dma_start3A_435 = tpu.memref_slice %arg6[%add3A_431, %dma_start3A_434] : memref<425984x128xf32, #tpu.memory_space<hbm>> -> memref<1024x32xf32, #tpu.memory_space<hbm>>
    tpu.enqueue_dma source(%arg11 : memref<1024x32xf32, #tpu.memory_space<vmem>>) target(%dma_start3A_435 : memref<1024x32xf32, #tpu.memory_space<hbm>>) target_semaphore(%arg15 : memref<!tpu.dma_semaphore, #tpu.memory_space<semaphore_mem>>)
    %add3A_436 = arith.constant 8 : i32
    %add3A_437 = arith.addi %mul3A_0, %add3A_436 : i32
    %sub3A_438 = arith.constant 2 : i32
    %sub3A_439 = arith.subi %add3A_437, %sub3A_438 : i32
    %mul3A_440 = arith.constant 16384 : i32
    %mul3A_441 = arith.muli %sub3A_439, %mul3A_440 : i32
    %add3A_442 = arith.addi %mul3A_441, %mul3A_2 : i32
    %dma_wait3A_443 = arith.constant 0 : i32
    %dma_wait3A_444 = tpu.memref_slice %arg6[%add3A_442, %dma_wait3A_443] : memref<425984x128xf32, #tpu.memory_space<hbm>> -> memref<1024x32xf32, #tpu.memory_space<hbm>>
    %dma_wait3A_445 = arith.constant 0 : i32
    %dma_wait3A_446 = tpu.memref_slice %arg6[%add3A_442, %dma_wait3A_445] : memref<425984x128xf32, #tpu.memory_space<hbm>> -> memref<1024x32xf32, #tpu.memory_space<hbm>>
    tpu.wait_dma2 semaphore(%arg14 : memref<!tpu.dma_semaphore, #tpu.memory_space<semaphore_mem>>) src(%arg10 : memref<1024x32xf32, #tpu.memory_space<vmem>>) dst(%dma_wait3A_446 : memref<1024x32xf32, #tpu.memory_space<hbm>>)
    %dma_start3A_447 = arith.constant 8 : i32
    %dma_start3A_448 = arith.constant 0 : i32
    %dma_start3A_449 = tpu.memref_slice %arg9[%dma_start3A_447, %dma_start3A_448] : memref<13x1024xi32, #tpu.memory_space<vmem>> -> memref<1x1024xi32, #tpu.memory_space<vmem>>
    %dma_start3A_450 = tpu.memref_squeeze %dma_start3A_449 : memref<1x1024xi32, #tpu.memory_space<vmem>> -> memref<1024xi32, #tpu.memory_space<vmem>>
    %dma_start3A_451 = arith.constant 0 : i32
    %dma_start3A_452 = arith.constant 0 : i32
    %dma_start3A_453 = tpu.memref_slice %arg5[%dma_start3A_451, %dma_start3A_452] : memref<2621440x32xf32, #tpu.memory_space<hbm>> -> memref<2621440x32xf32, #tpu.memory_space<hbm>>
    tpu.enqueue_indirect_dma source(%dma_start3A_453 : memref<2621440x32xf32, #tpu.memory_space<hbm>>) target(%arg10 : memref<1024x32xf32, #tpu.memory_space<vmem>>) offsets(%dma_start3A_450 : memref<1024xi32, #tpu.memory_space<vmem>>) semaphore(%arg12 : memref<!tpu.dma_semaphore, #tpu.memory_space<semaphore_mem>>)
    %dma_wait3A_454 = arith.constant 8 : i32
    %dma_wait3A_455 = arith.constant 0 : i32
    %dma_wait3A_456 = tpu.memref_slice %arg9[%dma_wait3A_454, %dma_wait3A_455] : memref<13x1024xi32, #tpu.memory_space<vmem>> -> memref<1x1024xi32, #tpu.memory_space<vmem>>
    %dma_wait3A_457 = tpu.memref_squeeze %dma_wait3A_456 : memref<1x1024xi32, #tpu.memory_space<vmem>> -> memref<1024xi32, #tpu.memory_space<vmem>>
    %dma_wait3A_458 = arith.constant 0 : i32
    %dma_wait3A_459 = arith.constant 0 : i32
    %dma_wait3A_460 = tpu.memref_slice %arg5[%dma_wait3A_458, %dma_wait3A_459] : memref<2621440x32xf32, #tpu.memory_space<hbm>> -> memref<2621440x32xf32, #tpu.memory_space<hbm>>
    tpu.wait_indirect_dma semaphore(%arg12 : memref<!tpu.dma_semaphore, #tpu.memory_space<semaphore_mem>>) src(%dma_wait3A_460 : memref<2621440x32xf32, #tpu.memory_space<hbm>>) dst(%arg10 : memref<1024x32xf32, #tpu.memory_space<vmem>>)
    %add3A_461 = arith.constant 8 : i32
    %add3A_462 = arith.addi %mul3A_0, %add3A_461 : i32
    %mul3A_463 = arith.constant 16384 : i32
    %mul3A_464 = arith.muli %add3A_462, %mul3A_463 : i32
    %add3A_465 = arith.addi %mul3A_464, %mul3A_2 : i32
    %dma_start3A_466 = arith.constant 0 : i32
    %dma_start3A_467 = tpu.memref_slice %arg6[%add3A_465, %dma_start3A_466] : memref<425984x128xf32, #tpu.memory_space<hbm>> -> memref<1024x32xf32, #tpu.memory_space<hbm>>
    %dma_start3A_468 = arith.constant 0 : i32
    %dma_start3A_469 = tpu.memref_slice %arg6[%add3A_465, %dma_start3A_468] : memref<425984x128xf32, #tpu.memory_space<hbm>> -> memref<1024x32xf32, #tpu.memory_space<hbm>>
    tpu.enqueue_dma source(%arg10 : memref<1024x32xf32, #tpu.memory_space<vmem>>) target(%dma_start3A_469 : memref<1024x32xf32, #tpu.memory_space<hbm>>) target_semaphore(%arg14 : memref<!tpu.dma_semaphore, #tpu.memory_space<semaphore_mem>>)
    %add3A_470 = arith.constant 9 : i32
    %add3A_471 = arith.addi %mul3A_0, %add3A_470 : i32
    %sub3A_472 = arith.constant 2 : i32
    %sub3A_473 = arith.subi %add3A_471, %sub3A_472 : i32
    %mul3A_474 = arith.constant 16384 : i32
    %mul3A_475 = arith.muli %sub3A_473, %mul3A_474 : i32
    %add3A_476 = arith.addi %mul3A_475, %mul3A_2 : i32
    %dma_wait3A_477 = arith.constant 0 : i32
    %dma_wait3A_478 = tpu.memref_slice %arg6[%add3A_476, %dma_wait3A_477] : memref<425984x128xf32, #tpu.memory_space<hbm>> -> memref<1024x32xf32, #tpu.memory_space<hbm>>
    %dma_wait3A_479 = arith.constant 0 : i32
    %dma_wait3A_480 = tpu.memref_slice %arg6[%add3A_476, %dma_wait3A_479] : memref<425984x128xf32, #tpu.memory_space<hbm>> -> memref<1024x32xf32, #tpu.memory_space<hbm>>
    tpu.wait_dma2 semaphore(%arg15 : memref<!tpu.dma_semaphore, #tpu.memory_space<semaphore_mem>>) src(%arg11 : memref<1024x32xf32, #tpu.memory_space<vmem>>) dst(%dma_wait3A_480 : memref<1024x32xf32, #tpu.memory_space<hbm>>)
    %dma_start3A_481 = arith.constant 9 : i32
    %dma_start3A_482 = arith.constant 0 : i32
    %dma_start3A_483 = tpu.memref_slice %arg9[%dma_start3A_481, %dma_start3A_482] : memref<13x1024xi32, #tpu.memory_space<vmem>> -> memref<1x1024xi32, #tpu.memory_space<vmem>>
    %dma_start3A_484 = tpu.memref_squeeze %dma_start3A_483 : memref<1x1024xi32, #tpu.memory_space<vmem>> -> memref<1024xi32, #tpu.memory_space<vmem>>
    %dma_start3A_485 = arith.constant 0 : i32
    %dma_start3A_486 = arith.constant 0 : i32
    %dma_start3A_487 = tpu.memref_slice %arg5[%dma_start3A_485, %dma_start3A_486] : memref<2621440x32xf32, #tpu.memory_space<hbm>> -> memref<2621440x32xf32, #tpu.memory_space<hbm>>
    tpu.enqueue_indirect_dma source(%dma_start3A_487 : memref<2621440x32xf32, #tpu.memory_space<hbm>>) target(%arg11 : memref<1024x32xf32, #tpu.memory_space<vmem>>) offsets(%dma_start3A_484 : memref<1024xi32, #tpu.memory_space<vmem>>) semaphore(%arg13 : memref<!tpu.dma_semaphore, #tpu.memory_space<semaphore_mem>>)
    %dma_wait3A_488 = arith.constant 9 : i32
    %dma_wait3A_489 = arith.constant 0 : i32
    %dma_wait3A_490 = tpu.memref_slice %arg9[%dma_wait3A_488, %dma_wait3A_489] : memref<13x1024xi32, #tpu.memory_space<vmem>> -> memref<1x1024xi32, #tpu.memory_space<vmem>>
    %dma_wait3A_491 = tpu.memref_squeeze %dma_wait3A_490 : memref<1x1024xi32, #tpu.memory_space<vmem>> -> memref<1024xi32, #tpu.memory_space<vmem>>
    %dma_wait3A_492 = arith.constant 0 : i32
    %dma_wait3A_493 = arith.constant 0 : i32
    %dma_wait3A_494 = tpu.memref_slice %arg5[%dma_wait3A_492, %dma_wait3A_493] : memref<2621440x32xf32, #tpu.memory_space<hbm>> -> memref<2621440x32xf32, #tpu.memory_space<hbm>>
    tpu.wait_indirect_dma semaphore(%arg13 : memref<!tpu.dma_semaphore, #tpu.memory_space<semaphore_mem>>) src(%dma_wait3A_494 : memref<2621440x32xf32, #tpu.memory_space<hbm>>) dst(%arg11 : memref<1024x32xf32, #tpu.memory_space<vmem>>)
    %add3A_495 = arith.constant 9 : i32
    %add3A_496 = arith.addi %mul3A_0, %add3A_495 : i32
    %mul3A_497 = arith.constant 16384 : i32
    %mul3A_498 = arith.muli %add3A_496, %mul3A_497 : i32
    %add3A_499 = arith.addi %mul3A_498, %mul3A_2 : i32
    %dma_start3A_500 = arith.constant 0 : i32
    %dma_start3A_501 = tpu.memref_slice %arg6[%add3A_499, %dma_start3A_500] : memref<425984x128xf32, #tpu.memory_space<hbm>> -> memref<1024x32xf32, #tpu.memory_space<hbm>>
    %dma_start3A_502 = arith.constant 0 : i32
    %dma_start3A_503 = tpu.memref_slice %arg6[%add3A_499, %dma_start3A_502] : memref<425984x128xf32, #tpu.memory_space<hbm>> -> memref<1024x32xf32, #tpu.memory_space<hbm>>
    tpu.enqueue_dma source(%arg11 : memref<1024x32xf32, #tpu.memory_space<vmem>>) target(%dma_start3A_503 : memref<1024x32xf32, #tpu.memory_space<hbm>>) target_semaphore(%arg15 : memref<!tpu.dma_semaphore, #tpu.memory_space<semaphore_mem>>)
    %add3A_504 = arith.constant 10 : i32
    %add3A_505 = arith.addi %mul3A_0, %add3A_504 : i32
    %sub3A_506 = arith.constant 2 : i32
    %sub3A_507 = arith.subi %add3A_505, %sub3A_506 : i32
    %mul3A_508 = arith.constant 16384 : i32
    %mul3A_509 = arith.muli %sub3A_507, %mul3A_508 : i32
    %add3A_510 = arith.addi %mul3A_509, %mul3A_2 : i32
    %dma_wait3A_511 = arith.constant 0 : i32
    %dma_wait3A_512 = tpu.memref_slice %arg6[%add3A_510, %dma_wait3A_511] : memref<425984x128xf32, #tpu.memory_space<hbm>> -> memref<1024x32xf32, #tpu.memory_space<hbm>>
    %dma_wait3A_513 = arith.constant 0 : i32
    %dma_wait3A_514 = tpu.memref_slice %arg6[%add3A_510, %dma_wait3A_513] : memref<425984x128xf32, #tpu.memory_space<hbm>> -> memref<1024x32xf32, #tpu.memory_space<hbm>>
    tpu.wait_dma2 semaphore(%arg14 : memref<!tpu.dma_semaphore, #tpu.memory_space<semaphore_mem>>) src(%arg10 : memref<1024x32xf32, #tpu.memory_space<vmem>>) dst(%dma_wait3A_514 : memref<1024x32xf32, #tpu.memory_space<hbm>>)
    %dma_start3A_515 = arith.constant 10 : i32
    %dma_start3A_516 = arith.constant 0 : i32
    %dma_start3A_517 = tpu.memref_slice %arg9[%dma_start3A_515, %dma_start3A_516] : memref<13x1024xi32, #tpu.memory_space<vmem>> -> memref<1x1024xi32, #tpu.memory_space<vmem>>
    %dma_start3A_518 = tpu.memref_squeeze %dma_start3A_517 : memref<1x1024xi32, #tpu.memory_space<vmem>> -> memref<1024xi32, #tpu.memory_space<vmem>>
    %dma_start3A_519 = arith.constant 0 : i32
    %dma_start3A_520 = arith.constant 0 : i32
    %dma_start3A_521 = tpu.memref_slice %arg5[%dma_start3A_519, %dma_start3A_520] : memref<2621440x32xf32, #tpu.memory_space<hbm>> -> memref<2621440x32xf32, #tpu.memory_space<hbm>>
    tpu.enqueue_indirect_dma source(%dma_start3A_521 : memref<2621440x32xf32, #tpu.memory_space<hbm>>) target(%arg10 : memref<1024x32xf32, #tpu.memory_space<vmem>>) offsets(%dma_start3A_518 : memref<1024xi32, #tpu.memory_space<vmem>>) semaphore(%arg12 : memref<!tpu.dma_semaphore, #tpu.memory_space<semaphore_mem>>)
    %dma_wait3A_522 = arith.constant 10 : i32
    %dma_wait3A_523 = arith.constant 0 : i32
    %dma_wait3A_524 = tpu.memref_slice %arg9[%dma_wait3A_522, %dma_wait3A_523] : memref<13x1024xi32, #tpu.memory_space<vmem>> -> memref<1x1024xi32, #tpu.memory_space<vmem>>
    %dma_wait3A_525 = tpu.memref_squeeze %dma_wait3A_524 : memref<1x1024xi32, #tpu.memory_space<vmem>> -> memref<1024xi32, #tpu.memory_space<vmem>>
    %dma_wait3A_526 = arith.constant 0 : i32
    %dma_wait3A_527 = arith.constant 0 : i32
    %dma_wait3A_528 = tpu.memref_slice %arg5[%dma_wait3A_526, %dma_wait3A_527] : memref<2621440x32xf32, #tpu.memory_space<hbm>> -> memref<2621440x32xf32, #tpu.memory_space<hbm>>
    tpu.wait_indirect_dma semaphore(%arg12 : memref<!tpu.dma_semaphore, #tpu.memory_space<semaphore_mem>>) src(%dma_wait3A_528 : memref<2621440x32xf32, #tpu.memory_space<hbm>>) dst(%arg10 : memref<1024x32xf32, #tpu.memory_space<vmem>>)
    %add3A_529 = arith.constant 10 : i32
    %add3A_530 = arith.addi %mul3A_0, %add3A_529 : i32
    %mul3A_531 = arith.constant 16384 : i32
    %mul3A_532 = arith.muli %add3A_530, %mul3A_531 : i32
    %add3A_533 = arith.addi %mul3A_532, %mul3A_2 : i32
    %dma_start3A_534 = arith.constant 0 : i32
    %dma_start3A_535 = tpu.memref_slice %arg6[%add3A_533, %dma_start3A_534] : memref<425984x128xf32, #tpu.memory_space<hbm>> -> memref<1024x32xf32, #tpu.memory_space<hbm>>
    %dma_start3A_536 = arith.constant 0 : i32
    %dma_start3A_537 = tpu.memref_slice %arg6[%add3A_533, %dma_start3A_536] : memref<425984x128xf32, #tpu.memory_space<hbm>> -> memref<1024x32xf32, #tpu.memory_space<hbm>>
    tpu.enqueue_dma source(%arg10 : memref<1024x32xf32, #tpu.memory_space<vmem>>) target(%dma_start3A_537 : memref<1024x32xf32, #tpu.memory_space<hbm>>) target_semaphore(%arg14 : memref<!tpu.dma_semaphore, #tpu.memory_space<semaphore_mem>>)
    %add3A_538 = arith.constant 11 : i32
    %add3A_539 = arith.addi %mul3A_0, %add3A_538 : i32
    %sub3A_540 = arith.constant 2 : i32
    %sub3A_541 = arith.subi %add3A_539, %sub3A_540 : i32
    %mul3A_542 = arith.constant 16384 : i32
    %mul3A_543 = arith.muli %sub3A_541, %mul3A_542 : i32
    %add3A_544 = arith.addi %mul3A_543, %mul3A_2 : i32
    %dma_wait3A_545 = arith.constant 0 : i32
    %dma_wait3A_546 = tpu.memref_slice %arg6[%add3A_544, %dma_wait3A_545] : memref<425984x128xf32, #tpu.memory_space<hbm>> -> memref<1024x32xf32, #tpu.memory_space<hbm>>
    %dma_wait3A_547 = arith.constant 0 : i32
    %dma_wait3A_548 = tpu.memref_slice %arg6[%add3A_544, %dma_wait3A_547] : memref<425984x128xf32, #tpu.memory_space<hbm>> -> memref<1024x32xf32, #tpu.memory_space<hbm>>
    tpu.wait_dma2 semaphore(%arg15 : memref<!tpu.dma_semaphore, #tpu.memory_space<semaphore_mem>>) src(%arg11 : memref<1024x32xf32, #tpu.memory_space<vmem>>) dst(%dma_wait3A_548 : memref<1024x32xf32, #tpu.memory_space<hbm>>)
    %dma_start3A_549 = arith.constant 11 : i32
    %dma_start3A_550 = arith.constant 0 : i32
    %dma_start3A_551 = tpu.memref_slice %arg9[%dma_start3A_549, %dma_start3A_550] : memref<13x1024xi32, #tpu.memory_space<vmem>> -> memref<1x1024xi32, #tpu.memory_space<vmem>>
    %dma_start3A_552 = tpu.memref_squeeze %dma_start3A_551 : memref<1x1024xi32, #tpu.memory_space<vmem>> -> memref<1024xi32, #tpu.memory_space<vmem>>
    %dma_start3A_553 = arith.constant 0 : i32
    %dma_start3A_554 = arith.constant 0 : i32
    %dma_start3A_555 = tpu.memref_slice %arg5[%dma_start3A_553, %dma_start3A_554] : memref<2621440x32xf32, #tpu.memory_space<hbm>> -> memref<2621440x32xf32, #tpu.memory_space<hbm>>
    tpu.enqueue_indirect_dma source(%dma_start3A_555 : memref<2621440x32xf32, #tpu.memory_space<hbm>>) target(%arg11 : memref<1024x32xf32, #tpu.memory_space<vmem>>) offsets(%dma_start3A_552 : memref<1024xi32, #tpu.memory_space<vmem>>) semaphore(%arg13 : memref<!tpu.dma_semaphore, #tpu.memory_space<semaphore_mem>>)
    %dma_wait3A_556 = arith.constant 11 : i32
    %dma_wait3A_557 = arith.constant 0 : i32
    %dma_wait3A_558 = tpu.memref_slice %arg9[%dma_wait3A_556, %dma_wait3A_557] : memref<13x1024xi32, #tpu.memory_space<vmem>> -> memref<1x1024xi32, #tpu.memory_space<vmem>>
    %dma_wait3A_559 = tpu.memref_squeeze %dma_wait3A_558 : memref<1x1024xi32, #tpu.memory_space<vmem>> -> memref<1024xi32, #tpu.memory_space<vmem>>
    %dma_wait3A_560 = arith.constant 0 : i32
    %dma_wait3A_561 = arith.constant 0 : i32
    %dma_wait3A_562 = tpu.memref_slice %arg5[%dma_wait3A_560, %dma_wait3A_561] : memref<2621440x32xf32, #tpu.memory_space<hbm>> -> memref<2621440x32xf32, #tpu.memory_space<hbm>>
    tpu.wait_indirect_dma semaphore(%arg13 : memref<!tpu.dma_semaphore, #tpu.memory_space<semaphore_mem>>) src(%dma_wait3A_562 : memref<2621440x32xf32, #tpu.memory_space<hbm>>) dst(%arg11 : memref<1024x32xf32, #tpu.memory_space<vmem>>)
    %add3A_563 = arith.constant 11 : i32
    %add3A_564 = arith.addi %mul3A_0, %add3A_563 : i32
    %mul3A_565 = arith.constant 16384 : i32
    %mul3A_566 = arith.muli %add3A_564, %mul3A_565 : i32
    %add3A_567 = arith.addi %mul3A_566, %mul3A_2 : i32
    %dma_start3A_568 = arith.constant 0 : i32
    %dma_start3A_569 = tpu.memref_slice %arg6[%add3A_567, %dma_start3A_568] : memref<425984x128xf32, #tpu.memory_space<hbm>> -> memref<1024x32xf32, #tpu.memory_space<hbm>>
    %dma_start3A_570 = arith.constant 0 : i32
    %dma_start3A_571 = tpu.memref_slice %arg6[%add3A_567, %dma_start3A_570] : memref<425984x128xf32, #tpu.memory_space<hbm>> -> memref<1024x32xf32, #tpu.memory_space<hbm>>
    tpu.enqueue_dma source(%arg11 : memref<1024x32xf32, #tpu.memory_space<vmem>>) target(%dma_start3A_571 : memref<1024x32xf32, #tpu.memory_space<hbm>>) target_semaphore(%arg15 : memref<!tpu.dma_semaphore, #tpu.memory_space<semaphore_mem>>)
    %add3A_572 = arith.constant 12 : i32
    %add3A_573 = arith.addi %mul3A_0, %add3A_572 : i32
    %sub3A_574 = arith.constant 2 : i32
    %sub3A_575 = arith.subi %add3A_573, %sub3A_574 : i32
    %mul3A_576 = arith.constant 16384 : i32
    %mul3A_577 = arith.muli %sub3A_575, %mul3A_576 : i32
    %add3A_578 = arith.addi %mul3A_577, %mul3A_2 : i32
    %dma_wait3A_579 = arith.constant 0 : i32
    %dma_wait3A_580 = tpu.memref_slice %arg6[%add3A_578, %dma_wait3A_579] : memref<425984x128xf32, #tpu.memory_space<hbm>> -> memref<1024x32xf32, #tpu.memory_space<hbm>>
    %dma_wait3A_581 = arith.constant 0 : i32
    %dma_wait3A_582 = tpu.memref_slice %arg6[%add3A_578, %dma_wait3A_581] : memref<425984x128xf32, #tpu.memory_space<hbm>> -> memref<1024x32xf32, #tpu.memory_space<hbm>>
    tpu.wait_dma2 semaphore(%arg14 : memref<!tpu.dma_semaphore, #tpu.memory_space<semaphore_mem>>) src(%arg10 : memref<1024x32xf32, #tpu.memory_space<vmem>>) dst(%dma_wait3A_582 : memref<1024x32xf32, #tpu.memory_space<hbm>>)
    %dma_start3A_583 = arith.constant 12 : i32
    %dma_start3A_584 = arith.constant 0 : i32
    %dma_start3A_585 = tpu.memref_slice %arg9[%dma_start3A_583, %dma_start3A_584] : memref<13x1024xi32, #tpu.memory_space<vmem>> -> memref<1x1024xi32, #tpu.memory_space<vmem>>
    %dma_start3A_586 = tpu.memref_squeeze %dma_start3A_585 : memref<1x1024xi32, #tpu.memory_space<vmem>> -> memref<1024xi32, #tpu.memory_space<vmem>>
    %dma_start3A_587 = arith.constant 0 : i32
    %dma_start3A_588 = arith.constant 0 : i32
    %dma_start3A_589 = tpu.memref_slice %arg5[%dma_start3A_587, %dma_start3A_588] : memref<2621440x32xf32, #tpu.memory_space<hbm>> -> memref<2621440x32xf32, #tpu.memory_space<hbm>>
    tpu.enqueue_indirect_dma source(%dma_start3A_589 : memref<2621440x32xf32, #tpu.memory_space<hbm>>) target(%arg10 : memref<1024x32xf32, #tpu.memory_space<vmem>>) offsets(%dma_start3A_586 : memref<1024xi32, #tpu.memory_space<vmem>>) semaphore(%arg12 : memref<!tpu.dma_semaphore, #tpu.memory_space<semaphore_mem>>)
    %dma_wait3A_590 = arith.constant 12 : i32
    %dma_wait3A_591 = arith.constant 0 : i32
    %dma_wait3A_592 = tpu.memref_slice %arg9[%dma_wait3A_590, %dma_wait3A_591] : memref<13x1024xi32, #tpu.memory_space<vmem>> -> memref<1x1024xi32, #tpu.memory_space<vmem>>
    %dma_wait3A_593 = tpu.memref_squeeze %dma_wait3A_592 : memref<1x1024xi32, #tpu.memory_space<vmem>> -> memref<1024xi32, #tpu.memory_space<vmem>>
    %dma_wait3A_594 = arith.constant 0 : i32
    %dma_wait3A_595 = arith.constant 0 : i32
    %dma_wait3A_596 = tpu.memref_slice %arg5[%dma_wait3A_594, %dma_wait3A_595] : memref<2621440x32xf32, #tpu.memory_space<hbm>> -> memref<2621440x32xf32, #tpu.memory_space<hbm>>
    tpu.wait_indirect_dma semaphore(%arg12 : memref<!tpu.dma_semaphore, #tpu.memory_space<semaphore_mem>>) src(%dma_wait3A_596 : memref<2621440x32xf32, #tpu.memory_space<hbm>>) dst(%arg10 : memref<1024x32xf32, #tpu.memory_space<vmem>>)
    %add3A_597 = arith.constant 12 : i32
    %add3A_598 = arith.addi %mul3A_0, %add3A_597 : i32
    %mul3A_599 = arith.constant 16384 : i32
    %mul3A_600 = arith.muli %add3A_598, %mul3A_599 : i32
    %add3A_601 = arith.addi %mul3A_600, %mul3A_2 : i32
    %dma_start3A_602 = arith.constant 0 : i32
    %dma_start3A_603 = tpu.memref_slice %arg6[%add3A_601, %dma_start3A_602] : memref<425984x128xf32, #tpu.memory_space<hbm>> -> memref<1024x32xf32, #tpu.memory_space<hbm>>
    %dma_start3A_604 = arith.constant 0 : i32
    %dma_start3A_605 = tpu.memref_slice %arg6[%add3A_601, %dma_start3A_604] : memref<425984x128xf32, #tpu.memory_space<hbm>> -> memref<1024x32xf32, #tpu.memory_space<hbm>>
    tpu.enqueue_dma source(%arg10 : memref<1024x32xf32, #tpu.memory_space<vmem>>) target(%dma_start3A_605 : memref<1024x32xf32, #tpu.memory_space<hbm>>) target_semaphore(%arg14 : memref<!tpu.dma_semaphore, #tpu.memory_space<semaphore_mem>>)
    %add3A_606 = arith.constant 11 : i32
    %add3A_607 = arith.addi %mul3A_0, %add3A_606 : i32
    %mul3A_608 = arith.constant 16384 : i32
    %mul3A_609 = arith.muli %add3A_607, %mul3A_608 : i32
    %add3A_610 = arith.addi %mul3A_609, %mul3A_2 : i32
    %dma_wait3A_611 = arith.constant 0 : i32
    %dma_wait3A_612 = tpu.memref_slice %arg6[%add3A_610, %dma_wait3A_611] : memref<425984x128xf32, #tpu.memory_space<hbm>> -> memref<1024x32xf32, #tpu.memory_space<hbm>>
    %dma_wait3A_613 = arith.constant 0 : i32
    %dma_wait3A_614 = tpu.memref_slice %arg6[%add3A_610, %dma_wait3A_613] : memref<425984x128xf32, #tpu.memory_space<hbm>> -> memref<1024x32xf32, #tpu.memory_space<hbm>>
    tpu.wait_dma2 semaphore(%arg15 : memref<!tpu.dma_semaphore, #tpu.memory_space<semaphore_mem>>) src(%arg11 : memref<1024x32xf32, #tpu.memory_space<vmem>>) dst(%dma_wait3A_614 : memref<1024x32xf32, #tpu.memory_space<hbm>>)
    %add3A_615 = arith.constant 12 : i32
    %add3A_616 = arith.addi %mul3A_0, %add3A_615 : i32
    %mul3A_617 = arith.constant 16384 : i32
    %mul3A_618 = arith.muli %add3A_616, %mul3A_617 : i32
    %add3A_619 = arith.addi %mul3A_618, %mul3A_2 : i32
    %dma_wait3A_620 = arith.constant 0 : i32
    %dma_wait3A_621 = tpu.memref_slice %arg6[%add3A_619, %dma_wait3A_620] : memref<425984x128xf32, #tpu.memory_space<hbm>> -> memref<1024x32xf32, #tpu.memory_space<hbm>>
    %dma_wait3A_622 = arith.constant 0 : i32
    %dma_wait3A_623 = tpu.memref_slice %arg6[%add3A_619, %dma_wait3A_622] : memref<425984x128xf32, #tpu.memory_space<hbm>> -> memref<1024x32xf32, #tpu.memory_space<hbm>>
    tpu.wait_dma2 semaphore(%arg14 : memref<!tpu.dma_semaphore, #tpu.memory_space<semaphore_mem>>) src(%arg10 : memref<1024x32xf32, #tpu.memory_space<vmem>>) dst(%dma_wait3A_623 : memref<1024x32xf32, #tpu.memory_space<hbm>>)
    return
  }
}

module attributes {stable_mosaic.version = 14 : i64} {
  func.func @body(%arg0: i32, %arg1: memref<32x16384xf32, #tpu.memory_space<vmem>>, %arg2: memref<32x16384xf32, #tpu.memory_space<vmem>>, %arg3: memref<32x16384xf32, #tpu.memory_space<vmem>>, %arg4: memref<32x16384xf32, #tpu.memory_space<vmem>>, %arg5: memref<16384x128xf32, #tpu.memory_space<vmem>>) attributes {dimension_semantics = [#tpu.dimension_semantics<arbitrary>], iteration_bounds = array<i64: 40>, scalar_prefetch = 0 : i64, scratch_operands = 0 : i64, tpu.core_type = #tpu.core_type<tc>, window_params = [{transform_indices = @transform_0, window_bounds = array<i64: 32, 16384>}, {transform_indices = @transform_1, window_bounds = array<i64: 32, 16384>}, {transform_indices = @transform_2, window_bounds = array<i64: 32, 16384>}, {transform_indices = @transform_3, window_bounds = array<i64: 32, 16384>}, {transform_indices = @transform_4, window_bounds = array<i64: 16384, 128>}]} {
    %get3A = arith.constant 0 : index
    %get3A_0 = arith.constant 0 : index
    %get3A_1 = vector.load %arg1[%get3A, %get3A_0] : memref<32x16384xf32, #tpu.memory_space<vmem>>, vector<32x16384xf32>
    %get3A_2 = arith.constant 0 : index
    %get3A_3 = arith.constant 0 : index
    %get3A_4 = vector.load %arg2[%get3A_2, %get3A_3] : memref<32x16384xf32, #tpu.memory_space<vmem>>, vector<32x16384xf32>
    %get3A_5 = arith.constant 0 : index
    %get3A_6 = arith.constant 0 : index
    %get3A_7 = vector.load %arg3[%get3A_5, %get3A_6] : memref<32x16384xf32, #tpu.memory_space<vmem>>, vector<32x16384xf32>
    %get3A_8 = arith.constant 0 : index
    %get3A_9 = arith.constant 0 : index
    %get3A_10 = vector.load %arg4[%get3A_8, %get3A_9] : memref<32x16384xf32, #tpu.memory_space<vmem>>, vector<32x16384xf32>
    %concatenate3A = tpu.concatenate %get3A_1, %get3A_4, %get3A_7, %get3A_10 in 0 : vector<32x16384xf32>, vector<32x16384xf32>, vector<32x16384xf32>, vector<32x16384xf32> -> vector<128x16384xf32>
    %transpose3A = tpu.transpose %concatenate3A, [1, 0] : vector<128x16384xf32> -> vector<16384x128xf32>
    %swap3A = arith.constant 0 : index
    %swap3A_11 = arith.constant 0 : index
    %swap3A_12 = vector.load %arg5[%swap3A, %swap3A_11] : memref<16384x128xf32, #tpu.memory_space<vmem>>, vector<16384x128xf32>
    tpu.vector_store %arg5[%swap3A, %swap3A_11], %transpose3A {strides = array<i32>} : memref<16384x128xf32, #tpu.memory_space<vmem>>, vector<16384x128xf32>,
    return
  }
  func.func @transform_0(%arg0: i32) -> (i32, i32) {
    %add3A = arith.constant 0 : i32
    %add3A_0 = arith.addi %arg0, %add3A : i32
    %min3A = arith.constant 158 : i32
    %min3A_1 = arith.minsi %add3A_0, %min3A : i32
    %c0_i32 = arith.constant 0 : i32
    %c0_i32_2 = arith.constant 0 : i32
    return %c0_i32, %min3A_1 : i32, i32
  }
  func.func @transform_1(%arg0: i32) -> (i32, i32) {
    %add3A = arith.constant 40 : i32
    %add3A_0 = arith.addi %arg0, %add3A : i32
    %min3A = arith.constant 158 : i32
    %min3A_1 = arith.minsi %add3A_0, %min3A : i32
    %c0_i32 = arith.constant 0 : i32
    %c0_i32_2 = arith.constant 0 : i32
    return %c0_i32, %min3A_1 : i32, i32
  }
  func.func @transform_2(%arg0: i32) -> (i32, i32) {
    %add3A = arith.constant 80 : i32
    %add3A_0 = arith.addi %arg0, %add3A : i32
    %min3A = arith.constant 158 : i32
    %min3A_1 = arith.minsi %add3A_0, %min3A : i32
    %c0_i32 = arith.constant 0 : i32
    %c0_i32_2 = arith.constant 0 : i32
    return %c0_i32, %min3A_1 : i32, i32
  }
  func.func @transform_3(%arg0: i32) -> (i32, i32) {
    %add3A = arith.constant 120 : i32
    %add3A_0 = arith.addi %arg0, %add3A : i32
    %min3A = arith.constant 158 : i32
    %min3A_1 = arith.minsi %add3A_0, %min3A : i32
    %c0_i32 = arith.constant 0 : i32
    %c0_i32_2 = arith.constant 0 : i32
    return %c0_i32, %min3A_1 : i32, i32
  }
  func.func @transform_4(%arg0: i32) -> (i32, i32) {
    %c0_i32 = arith.constant 0 : i32
    %c0_i32_0 = arith.constant 0 : i32
    return %arg0, %c0_i32 : i32, i32
  }
}

</mosaic_0001>

<sc_bundles>
// kernel: kernel.4.cloned.1.call-start
scs
__scs_entry_jumppad:
0x0: {  	(pc) =	sbr.rel $0x88, $3  }
0x1: {  	(tag) =	ssettag $0x0;
	lr =	simm.s32 $0x1  }
0x2: {  	[smem:$0x3F9E] =	sst lr;
	_ =	strace $0xD0000000  }
0x3: {  	_ = 	snop  }
0x4: {  	_ = 	snop  }
0x5: {  	_ = 	snop  }
0x6: {  	_ = 	snop  }
0x7: {  	_ = 	snop  }
__scs_overlays_trampoline_lowered:
0x8: {  	[smem:$0x3FAD] =	sst s0  }
0x9: {  	[smem:$0x3FAE] =	sst s1  }
0xa: {  	[smem:$0x3FAF] =	sst s2  }
0xb: {  	[smem:$0x3FB0] =	sst s3  }
0xc: {  	[smem:$0x3FB1] =	sst s4  }
0xd: {  	[smem:$0x3FB2] =	sst s5  }
0xe: {  	[smem:$0x3FB3] =	sst s6  }
0xf: {  	[smem:$0x3FB4] =	sst s7  }
0x10: {  	[smem:$0x3FB5] =	sst s8  }
0x11: {  	[smem:$0x3FB6] =	sst s9;
	s0 =	simm.s32 @!p0 $0x0  }
0x12: {  	s1 =	sld [smem:$0x3F9C];
	s0 =	simm.s32 @p0 $0x1  }
0x13: {  	[smem:$0x3FB7] =	sst s0;
	s0 =	simm.s32 @!p1 $0x0  }
0x14: {  	s2 =	sld [smem:$0x3F9B];
	s0 =	simm.s32 @p1 $0x1  }
0x15: {  	[smem:$0x3FB8] =	sst s0;
	s0 =	simm.s32 @!p2 $0x0  }
0x16: {  	s3 =	sld [smem:$0x3FDB];
	s0 =	simm.s32 @p2 $0x1  }
0x17: {  	s4 =	simm.s32 $0x1BF5;
	[smem:$0x3FBA] =	sst s0  }
0x18: {  	s0 =	sld [smem:$0x3F9D];
	_ =	swait.ge [sflag:s4], $0x0  }
0x19: {  	s7 =	sld [smem:$0x3F9E]  }
0x1a: {  	s8 =	sadd.s32 $0xFFFFE003, lr  }
0x1b: {  	s9 =	sadd.s32 $0xFFFFFEF7, lr;
	s5 =	simm.s32 $0xFFFFFFFF;
	p2 =	slt.u32 s8, $0xFFFFF086  }
0x1c: {  	p1 =	slt.u32 s9, $0xF7A;
	s5 =	simm.s32 @!p2 $0x0  }
0x1d: {  	s5 =	simm.s32 @p1 $0x1;
	p0 =	seq.s32 s7, s2  }
0x1e: {  	s7 =	smul.u32 @!p0 $0xF7A, s2;
	p2 =	seq.s32 @!p0 s5, $0x0  }
0x1f: {  	s9 =	smul.u32 $0xF7A, s1;
	s8 =	simm.s32 @!p0 $0x1BF5;
	p2 =	por !p2, p0  }
0x20: {  	[sflag:s8] =	ssyncset.s32 @!p0 $0xFFFFF086;
	s6 =	sadd.s32 @!p0 s3, s7;
	s7 =	simm.s32 @!p0 $0x108  }
0x21: {  	s3 =	sadd.s32 s3, s9;
	s6 =	sadd.s32 @!p0 $0x88, s6;
	s7 =	simm.s32 @p2 $0x1082  }
0x22: {  	[simem:s7], [sflag:s8] =	dma.local @!p0 [hbm:s6], $0xF7A  }
0x23: {  	s9 =	sor.u32 $0xD0000000, s2;
	s6 =	simm.s32 $0x108;
	_ =	swait.ge @!p0 [sflag:s8], $0x0  }
0x24: {  	s3 =	sadd.s32 $0x88, s3;
	s6 =	simm.s32 @!p1 $0x1082;
	[sflag:s4] =	ssyncset.s32 $0xFFFFF086  }
0x25: {  	[simem:s6], [sflag:s4] =	dma.local [hbm:s3], $0xF7A  }
0x26: {  	[smem:$0x3F9E] =	sst s1;
	(tag) =	ssettag s2;
	_ =	strace s9  }
0x27: {  	s1 =	sld [smem:$0x3FAE]  }
0x28: {  	s2 =	sld [smem:$0x3FAF]  }
0x29: {  	s4 =	sld [smem:$0x3FB1]  }
0x2a: {  	p0 =	seq.s32 s5, $0x0;
	s5 =	sld [smem:$0x3FB2]  }
0x2b: {  	s6 =	sld [smem:$0x3FB3]  }
0x2c: {  	s7 =	sld [smem:$0x3FB4]  }
0x2d: {  	s3 =	simm.s32 $0x108;
	s8 =	sld [smem:$0x3FB5]  }
0x2e: {  	s3 =	simm.s32 @!p0 $0x1082;
	s9 =	sld [smem:$0x3FB6]  }
0x2f: {  	lr =	sadd.s32 s0, s3;
	s0 =	sld [smem:$0x3FAD]  }
0x30: {  	s3 =	sld [smem:$0x3FB0]  }
0x31: {  	[smem:$0x3FB9] =	sst s10  }
0x32: {  	s10 =	sld [smem:$0x3FB7];
	_ =	sdelay $0x3  }
0x33: {  	p0 =	seq.s32 s10, $0x1;
	s10 =	sld [smem:$0x3FB9];
	_ =	sdelay $0x3  }
0x34: {  	[smem:$0x3FB9] =	sst s10  }
0x35: {  	s10 =	sld [smem:$0x3FB8];
	_ =	sdelay $0x3  }
0x36: {  	p1 =	seq.s32 s10, $0x1;
	s10 =	sld [smem:$0x3FB9];
	_ =	sdelay $0x3  }
0x37: {  	[smem:$0x3FB9] =	sst s10  }
0x38: {  	s10 =	sld [smem:$0x3FBA]  }
0x39: {  	_ = 	snop;
	(pc) =	sbr.ind lr, $3  }
0x3a: {  	_ = 	snop  }
0x3b: {  	_ = 	snop  }
0x3c: {  	p2 =	seq.s32 s10, $0x1;
	s10 =	sld [smem:$0x3FB9]  }
0x3d: {  	_ =	shalt  }
0x3e: {  	_ =	shalt  }
0x3f: {  	_ =	shalt  }
0x40: {  	_ =	shalt  }
0x41: {  	_ =	shalt  }
0x42: {  	_ =	shalt  }
0x43: {  	_ =	shalt  }
0x44: {  	_ =	shalt  }
0x45: {  	_ =	shalt  }
0x46: {  	_ =	shalt  }
0x47: {  	_ =	shalt  }
0x48: {  	_ =	shalt  }
0x49: {  	_ =	shalt  }
0x4a: {  	_ =	shalt  }
0x4b: {  	_ =	shalt  }
0x4c: {  	_ =	shalt  }
0x4d: {  	_ =	shalt  }
0x4e: {  	_ =	shalt  }
0x4f: {  	_ =	shalt  }
0x50: {  	_ =	shalt  }
0x51: {  	_ =	shalt  }
0x52: {  	_ =	shalt  }
0x53: {  	_ =	shalt  }
0x54: {  	_ =	shalt  }
0x55: {  	_ =	shalt  }
0x56: {  	_ =	shalt  }
0x57: {  	_ =	shalt  }
0x58: {  	_ =	shalt  }
0x59: {  	_ =	shalt  }
0x5a: {  	_ =	shalt  }
0x5b: {  	_ =	shalt  }
0x5c: {  	_ =	shalt  }
0x5d: {  	_ =	shalt  }
0x5e: {  	_ =	shalt  }
0x5f: {  	_ =	shalt  }
0x60: {  	_ =	shalt  }
0x61: {  	_ =	shalt  }
0x62: {  	_ =	shalt  }
0x63: {  	_ =	shalt  }
0x64: {  	_ =	shalt  }
0x65: {  	_ =	shalt  }
0x66: {  	_ =	shalt  }
0x67: {  	_ =	shalt  }
0x68: {  	_ =	shalt  }
0x69: {  	_ =	shalt  }
0x6a: {  	_ =	shalt  }
0x6b: {  	_ =	shalt  }
0x6c: {  	_ =	shalt  }
0x6d: {  	_ =	shalt  }
0x6e: {  	_ =	shalt  }
0x6f: {  	_ =	shalt  }
0x70: {  	_ =	shalt  }
0x71: {  	_ =	shalt  }
0x72: {  	_ =	shalt  }
0x73: {  	_ =	shalt  }
0x74: {  	_ =	shalt  }
0x75: {  	_ =	shalt  }
0x76: {  	_ =	shalt  }
0x77: {  	_ =	shalt  }
0x78: {  	_ =	shalt  }
0x79: {  	_ =	shalt  }
0x7a: {  	_ =	shalt  }
0x7b: {  	_ =	shalt  }
0x7c: {  	_ =	shalt  }
0x7d: {  	_ =	shalt  }
0x7e: {  	_ =	shalt  }
0x7f: {  	_ =	shalt  }
0x80: {  	_ =	shalt  }
0x81: {  	_ =	shalt  }
0x82: {  	_ =	shalt  }
0x83: {  	_ =	shalt  }
0x84: {  	_ =	shalt  }
0x85: {  	_ =	shalt  }
0x86: {  	_ =	shalt  }
0x87: {  	_ =	shalt  }
.Lfunc_end0:
.L_simem_size_0:
called_computation.1_lowered:
.L_overlay_start_0:
0x88: {  	s2 =	sld [smem:$0x3FD9]  }
0x89: {  	s3 =	sld [smem:$0x3FFE];
	_ =	sdelay $0x1  }
0x8a: {  	s1 =	srdreg.scid  }
0x8b: {  	s0 =	sand.u32 $0x1, s1  }
0x8c: {  	s17 =	sshll.u32 s0, $0xA;
	s2 =	sadd.s32 s3, s2  }
0x8d: {  	s2 =	sadd.s32 s2, s17  }
0x8e: {  	[smem:$0x3FC5] =	sst s2  }
0x8f: {  	_ = 	snop  }
0x90: {  	s2 =	sld [smem:$0x3FD0];
	(tm) =	ssettm $0x1  }
0x91: {  	s18 =	sld [smem:$0x3FFB];
	_ =	sdelay $0x3  }
0x92: {  	_ =	strace s18  }
0x93: {  	s3 =	sld [smem:$0x3FFC];
	_ =	sdelay $0x3  }
0x94: {  	_ =	strace s3  }
0x95: {  	s3 =	sld [smem:$0x3FFD];
	_ =	sdelay $0x3  }
0x96: {  	_ =	strace s3  }
0x97: {  	_ =	strace $0x8FFFFFFF  }
0x98: {  	s19 =	sld [smem:$0x3FDB];
	_ =	sdelay $0x1  }
0x99: {  	s4 =	simm.s32 $_scs_section_size  }
0x9a: {  	s5 =	simm.s32 $_size__tile_overlayer_lowered;
	s6 =	simm.s32 $_tile_overlayer_lowered  }
0x9b: {  	s22 =	simm.s32 $0x1BFF;
	s21 =	sshll.u32 s6, $0x1;
	s3 =	sadd.s32 s4, s19  }
0x9c: {  	s7 =	simm.s32 $0x0;
	s20 =	sshll.u32 s5, $0x1;
	s5 =	sadd.s32 s21, s3  }
0x9d: {  	[timem:s7], [sflag:s22] =	dma.local [hbm:s5], s20  }
0x9e: {  	_ =	swait.ge [sflag:s22], s20  }
0x9f: {  	s4 =	ssub.s32 $0x0, s20;
	[sflag:s22] =	ssyncset.done $0x0  }
0xa0: {  	[sflag:s22] =	ssyncadd.s32 s4;
	_ =	sdelay $0x1  }
0xa1: {  	s23 =	simm.s32 $0x1B8B  }
0xa2: {  	_ =	swait.ge [sflag:s23], $0x1  }
0xa3: {  	[sflag:s23] =	ssyncset.done $0x0  }
0xa4: {  	s25 =	simm.s32 $0x1B8E;
	s24 =	sld [smem:$0x3FFE];
	[sflag:s23] =	ssyncadd.s32 $0xFFFFFFFF  }
0xa5: {  	s26 =	simm.s32 $execute0_lowered;
	[smem:$0x3FD2] =	sst s25  }
0xa6: {  	s5 =	sshll.u32 s26, $0x1;
	_ =	strace $0x80000046;
	[dreg:$0x1] =	wrdreg $0xFFFFFFFF  }
0xa7: {  	s28 =	simm.s32 $_size_execute0_lowered;
	s3 =	sadd.s32 s3, s5;
	[dreg:$0x0] =	wrdreg $0x0  }
0xa8: {  	s5 =	sshll.u32 s28, $0x1;
	[dreg:$0x2] =	wrdreg s3  }
0xa9: {  	[dreg:$0x3] =	wrdreg s5  }
0xaa: {  	[dreg:$0x4] =	wrdreg $0xC0  }
0xab: {  	_ =	task [dreg:s7], $0x5FFFF  }
0xac: {  	[dreg:$0x1] =	wrdreg $0xFFFFFFFF  }
0xad: {  	[dreg:$0x0] =	wrdreg $0x60  }
0xae: {  	[dreg:$0x2] =	wrdreg s2  }
0xaf: {  	[dreg:$0x3] =	wrdreg s24  }
0xb0: {  	[dreg:$0x4] =	wrdreg $0x9  }
0xb1: {  	_ =	task.clear_ibuf [dreg:s7], $0x5FFFF;
	_ =	strace $0x90000046  }
0xb2: {  	s29 =	simm.s32 $0x9;
	_ =	strace $0x80000048  }
0xb3: {  	_ =	swait.ge [sflag:s29], $0x1  }
0xb4: {  	[sflag:s29] =	ssyncadd.s32 $0xFFFFFFFF  }
0xb5: {  	_ =	strace $0x90000048  }
0xb6: {  	_ =	sfence  }
0xb7: {  	s30 =	sld [smem:$0x0];
	_ =	sdelay $0x2  }
0xb8: {  	s31 =	sshll.u32 s1, $0xD;
	s1 =	sshrl.u32 s1, $0x2  }
0xb9: {  	s3 =	sand.u32 $0x4000, s31;
	s1 =	sadd.s32 s1, s30  }
0xba: {  	s0 =	sor.u32 s3, s0;
	s1 =	sshll.u32 s1, $0x11  }
0xbb: {  	s0 =	sor.u32 s1, s0  }
0xbc: {  	s0 =	sadd.s32 $0x8F2B, s0  }
0xbd: {  	[sflag:s0] =	ssyncadd.remote.s32 $0x1  }
0xbe: {  	_ =	sfence.sel $0xFFFF  }
0xbf: {  	[dreg:$0x0] =	wrdreg $0xFFFFFFFF;
	(pc) =	sbr.abs _section_cstart, $3  }
0xc0: {  	[dreg:$0x1] =	wrdreg $0xFFFFFFFF  }
0xc1: {  	_ =	task.clear_ibuf [dreg:s7], $0x2FFFF;
	_ =	strace $0x9FFFFFFF  }
0xc2: {  	(tm) =	ssettm $0x7FFFFFFF  }
0xc3: {  	_ =	shalt  }
tec
execute0_lowered:
.L_overlay_start_1:
0x0: {  	(tag) =	ssettag $0x1  }
0x1: {  	s0 =	srdreg.scid;
	s2 =	rddreg [dreg:$0x0]  }
0x2: {  	s16 =	stileid.u32;
	s6 =	simm.s32 $0x0;
	s0 =	sand.u32 $0x1, s0  }
0x3: {  	s4 =	sshll.u32 s16, $0xA;
	s1 =	smul.u32 $0x34000, s0;
	s3 =	ssub.s32 $0x2, s0  }
0x4: {  	[smem:$0x7FF] =	sst s6;
	s13 =	smul.u32 $0xD, s0;
	s5 =	sshrl.u32 s3, $0x1  }
0x5: {  	s16 =	sshll.u32 s16, $0x11;
	s14 =	sor.u32 s4, s1;
	s1 =	ssub.s32 s3, s5  }
0x6: {  	s3 =	sadd.s32 $0x2, s13;
	s4 =	sadd.s32 $0x3, s13;
	s5 =	sadd.s32 $0x4, s13  }
0x7: {  	s6 =	sadd.s32 $0x5, s13;
	s7 =	sadd.s32 $0x6, s13;
	s8 =	sadd.s32 $0x7, s13  }
0x8: {  	s9 =	sadd.s32 $0x8, s13;
	s10 =	sadd.s32 $0x9, s13;
	s11 =	sadd.s32 $0xA, s13  }
0x9: {  	s12 =	sshrl.u32 s14, $0x3;
	s17 =	sshll.u32 s3, $0x15;
	s18 =	sshll.u32 s4, $0x15  }
0xa: {  	s19 =	sshll.u32 s5, $0x15;
	s20 =	sshll.u32 s6, $0x15;
	s21 =	sshll.u32 s7, $0x15  }
0xb: {  	s22 =	sshll.u32 s8, $0x15;
	s23 =	sshll.u32 s9, $0x15;
	s24 =	sshll.u32 s10, $0x15  }
0xc: {  	s25 =	sshll.u32 s11, $0x15;
	s14 =	sshll.u32 s14, $0x4;
	s30 =	sshll.u32 s10, $0x4  }
0xd: {  	s2 =	sadd.s32 s2, s12;
	s12 =	sadd.s32 $0xB, s13;
	s17 =	sor.u32 s16, s17  }
0xe: {  	s18 =	sor.u32 s16, s18;
	s19 =	sor.u32 s16, s19;
	s20 =	sor.u32 s16, s20  }
0xf: {  	s21 =	sor.u32 s16, s21;
	s22 =	sor.u32 s16, s22;
	s23 =	sor.u32 s16, s23  }
0x10: {  	s24 =	sor.u32 s16, s24;
	s25 =	sor.u32 s16, s25;
	[dreg:$0x3] =	wrdreg s2  }
0x11: {  	s2 =	sadd.s32 $0x1, s13;
	s13 =	sadd.s32 $0xC, s13;
	s26 =	sshll.u32 s12, $0x15  }
0x12: {  	s15 =	sshll.u32 s2, $0x15;
	s28 =	sshll.u32 s13, $0x15;
	s26 =	sor.u32 s16, s26  }
0x13: {  	s15 =	sor.u32 s16, s15;
	s16 =	sor.u32 s16, s28;
	s28 =	rddreg [dreg:$0x1]  }
0x14: {  	s31 =	sshll.u32 s11, $0x4;
	s1 =	smax.u32 s1, $0x1;
	s29 =	sadd.s32 $0xA00E00, s28  }
0x15: {  	s10 =	simm.s32 $0x2;
	s15 =	sshrl.u32 s15, $0x3;
	s14 =	sadd.s32 s29, s14  }
0x16: {  	s11 =	simm.s32 $0x3;
	s15 =	sadd.s32 s29, s15;
	[dreg:$0x4] =	wrdreg s14  }
0x17: {  	s12 =	sshll.u32 s12, $0x4;
	[dreg:$0x5] =	wrdreg s15;
	s15 =	sshrl.u32 s17, $0x3  }
0x18: {  	s17 =	sshrl.u32 s18, $0x3;
	s18 =	sshrl.u32 s19, $0x3;
	s14 =	sadd.s32 s29, s15  }
0x19: {  	s19 =	sadd.s32 s29, s18;
	s15 =	sshrl.u32 s20, $0x3;
	s18 =	sshrl.u32 s22, $0x3  }
0x1a: {  	s20 =	sshrl.u32 s23, $0x3;
	s22 =	sshrl.u32 s25, $0x3;
	[dreg:$0x6] =	wrdreg s14  }
0x1b: {  	s25 =	sshrl.u32 s16, $0x3;
	s14 =	sadd.s32 s29, s17;
	[dreg:$0x8] =	wrdreg s19  }
0x1c: {  	s17 =	sshrl.u32 s21, $0x3;
	s19 =	sadd.s32 s29, s18;
	s21 =	sshrl.u32 s24, $0x3  }
0x1d: {  	s23 =	sadd.s32 s29, s22;
	s24 =	sshrl.u32 s26, $0x3;
	s26 =	sadd.s32 $0xA00, s28  }
0x1e: {  	s18 =	sadd.s32 $0xC00, s28;
	s22 =	sshll.u32 s3, $0x4;
	[dreg:$0x7] =	wrdreg s14  }
0x1f: {  	s3 =	simm.s32 $0x340;
	s14 =	sadd.s32 s29, s15;
	[dreg:$0xb] =	wrdreg s19  }
0x20: {  	[dreg:$0xe] =	wrdreg s23;
	s19 =	sadd.s32 $0xE00, s28;
	s23 =	sshll.u32 s4, $0x4  }
0x21: {  	s28 =	sshll.u32 s8, $0x4;
	[dreg:$0x9] =	wrdreg s14;
	s14 =	sadd.s32 s29, s17  }
0x22: {  	s4 =	simm.s32 $0x5;
	s8 =	simm.s32 $0x80;
	[dreg:$0xa] =	wrdreg s14  }
0x23: {  	s14 =	sadd.s32 s29, s20;
	s20 =	smul.u32 $0xD0, s0;
	s0 =	sshll.u32 s13, $0x4  }
0x24: {  	s13 =	simm.s32 $0x4;
	[dreg:$0xc] =	wrdreg s14;
	s14 =	sadd.s32 s29, s21  }
0x25: {  	s21 =	sshll.u32 s2, $0x4;
	s2 =	simm.s32 $0x400;
	[dreg:$0xd] =	wrdreg s14  }
0x26: {  	s14 =	sadd.s32 s29, s24;
	s24 =	sshll.u32 s5, $0x4;
	s5 =	simm.s32 $0x3740  }
0x27: {  	[dreg:$0xf] =	wrdreg s14;
	s14 =	sadd.s32 s29, s25;
	s25 =	sshll.u32 s6, $0x4  }
0x28: {  	s29 =	sshll.u32 s9, $0x4;
	s6 =	simm.s32 $0x1;
	[dreg:$0x10] =	wrdreg s14  }
0x29: {  	s9 =	simm.s32 $0xB740;
	s14 =	simm.s32 $0x0;
	_ =	strace $0x80000047  }
0x2a: {  	[dreg:$0x11] =	wrdreg s26;
	s26 =	sshll.u32 s7, $0x4;
	s7 =	simm.s32 $0x20  }
.LBB2_1:
0x2b: {  	s15 =	rddreg [dreg:$0x3];
	s16 =	simm.s32 $0x4000  }
0x2c: {  	[tilespmem:s3], [sflag:$0x5] =	stream.strided.gather [hbm4b:s15+s2], $0x3400, s16, s2, $0x38;
	[tilespmem:$0x13740] =	vst v63  }
0x2d: {  	_ =	swait.ge [sflag:s4], $0x3400  }
0x2e: {  	[sflag:s4] =	ssyncset.done $0x0  }
0x2f: {  	s15 =	simm.s32 $0x0;
	s17 =	rddreg [dreg:$0x11];
	[sflag:s4] =	ssyncadd.s32 $0xFFFFCC00  }
0x30: {  	[tilespmem:s15], [sflag:$0x5] =	stream.linear.gather [hbm4b:s17+s15], $0x1A0, $0x38;
	[tilespmem:$0x13740] =	vst v63  }
0x31: {  	_ =	swait.ge [sflag:s4], $0x1A0  }
0x32: {  	[sflag:s4] =	ssyncset.done $0x0  }
0x33: {  	s17 =	simm.s32 $0x1A0;
	[sflag:s4] =	ssyncadd.s32 $0xFFFFFE60  }
0x34: {  	[tilespmem:s17], [sflag:$0x5] =	stream.linear.gather [hbm4b:s18+s15], $0x1A0, $0x38;
	[tilespmem:$0x13740] =	vst v63  }
0x35: {  	_ =	swait.ge [sflag:s4], $0x1A0  }
0x36: {  	[sflag:s4] =	ssyncset.done $0x0  }
0x37: {  	[sflag:s4] =	ssyncadd.s32 $0xFFFFFE60  }
0x38: {  	v5 =	vld [tilespmem:s20+$0x0]  }
0x39: {  	v6 =	vld [tilespmem:s21+$0x0]  }
0x3a: {  	v7 =	vld [tilespmem:s22+$0x0]  }
0x3b: {  	v9 =	vld [tilespmem:s23+$0x0]  }
0x3c: {  	v11 =	vld [tilespmem:s24+$0x0]  }
0x3d: {  	v13 =	vld [tilespmem:s25+$0x0]  }
0x3e: {  	v14 =	vld [tilespmem:s26+$0x0]  }
0x3f: {  	v12 =	vld [tilespmem:s28+$0x0]  }
0x40: {  	v10 =	vld [tilespmem:s29+$0x0]  }
0x41: {  	v3 =	vld [tilespmem:s30+$0x0]  }
0x42: {  	v2 =	vld [tilespmem:s31+$0x0]  }
0x43: {  	v1 =	vld [tilespmem:s12+$0x0]  }
0x44: {  	v0 =	vld [tilespmem:s0+$0x0]  }
0x45: {  	v17 =	vld [tilespmem:s20+$0x1A0]  }
0x46: {  	v18 =	vld [tilespmem:s21+$0x1A0]  }
0x47: {  	v19 =	vld [tilespmem:s22+$0x1A0]  }
0x48: {  	v20 =	vld [tilespmem:s23+$0x1A0]  }
0x49: {  	v21 =	vld [tilespmem:s24+$0x1A0]  }
0x4a: {  	v22 =	vld [tilespmem:s25+$0x1A0]  }
0x4b: {  	v24 =	vld [tilespmem:s26+$0x1A0]  }
0x4c: {  	v25 =	vld [tilespmem:s28+$0x1A0]  }
0x4d: {  	s15 =	simm.s32 $0xFFFFFC00;
	v26 =	vld [tilespmem:s29+$0x1A0]  }
0x4e: {  	v30 =	vld [tilespmem:s15+$0x740]  }
0x4f: {  	v40 =	vld [tilespmem:s15+$0xF40]  }
0x50: {  	v41 =	vld [tilespmem:s15+$0x1340];
	v29 =	vadd.s32 $0xFFD80001, v5  }
0x51: {  	v44 =	vld [tilespmem:s15+$0x1B40];
	v31 =	vadd.s32 $0xFFD80001, v6;
	v32 =	vadd.s32 $0xFFD80001, v7;
	v33 =	vadd.s32 $0xFFD80001, v9  }
0x52: {  	v39 =	vld [tilespmem:s15+$0xB40];
	v34 =	vadd.s32 $0xFFD80001, v11;
	v36 =	vadd.s32 $0xFFD80001, v13;
	v38 =	vadd.s32 $0xFFD80001, v14  }
0x53: {  	v42 =	vld [tilespmem:s15+$0x1740];
	v37 =	vadd.s32 $0xFFD80001, v12;
	v35 =	vadd.s32 $0xFFD80001, v10;
	v27 =	vadd.s32 $0xFFD80001, v3  }
0x54: {  	v15 =	vld [tilespmem:s30+$0x1A0];
	v28 =	vadd.s32 $0xFFD80001, v2;
	v23 =	vadd.s32 $0xFFD80001, v1;
	vm0 =	vlt.s32 v30, v17  }
0x55: {  	v48 =	vld [tilespmem:s15+$0x2340];
	v30 =	vshll.u32 v30, $0x2;
	vm1 =	vlt.s32 v40, v19;
	v47 =	vshll.u32 v40, $0x2  }
0x56: {  	v16 =	vld [tilespmem:s31+$0x1A0];
	v60 =	vshll.u32 v41, $0x2;
	v62 =	vshll.u32 v44, $0x2;
	v43 =	vsel vm0, v5, v29  }
0x57: {  	v8 =	vld [tilespmem:s12+$0x1A0];
	vm0 =	vlt.s32 v39, v18;
	v39 =	vshll.u32 v39, $0x2;
	v49 =	vsel vm1, v7, v32  }
0x58: {  	v45 =	vld [tilespmem:s15+$0x1F40];
	vm1 =	vlt.s32 v42, v21;
	v42 =	vshll.u32 v42, $0x2;
	v46 =	vsel vm0, v6, v31  }
0x59: {  	v40 =	vld [tilespmem:s15+$0x2740];
	v43 =	vadd.s32 v43, v30;
	v30 =	vadd.s32 $0xFFD80001, v0;
	v47 =	vadd.s32 v49, v47  }
0x5a: {  	v4 =	vld [tilespmem:s0+$0x1A0];
	vm0 =	vlt.s32 v41, v20;
	v61 =	vsel vm1, v11, v34;
	vm1 =	vlt.s32 v48, v25  }
0x5b: {  	v46 =	vadd.s32 v46, v39;
	[tilespmem:s15+$0x740] =	vst v43;
	v39 =	vld [tilespmem:s15+$0x2B40];
	v41 =	vsel vm0, v9, v33;
	v43 =	vadd.s32 v61, v42  }
0x5c: {  	vm0 =	vlt.s32 v44, v22;
	[tilespmem:s15+$0xF40] =	vst v47;
	v47 =	vshll.u32 v48, $0x2;
	v50 =	vadd.s32 v41, v60;
	v41 =	vld [tilespmem:s15+$0x2F40]  }
0x5d: {  	[tilespmem:s15+$0xB40] =	vst v46;
	v63 =	vsel vm0, v13, v36;
	vm0 =	vlt.s32 v45, v24;
	v45 =	vshll.u32 v45, $0x2  }
0x5e: {  	s16 =	simm.s32 $0xFFFFF040;
	v42 =	vld [tilespmem:s15+$0x3340];
	v44 =	vadd.s32 v63, v62;
	v46 =	vsel vm0, v14, v38;
	[tilespmem:s15+$0x1340] =	vst v50;
	vm0 =	vlt.s32 v40, v26  }
.LBB2_2:
0x5f: {  	p0 =	sne.s32 s16, $0xFFFFFFC0;
	[tilespmem:s15+$0x1740] =	vst v43;
	v43 =	vsel vm1, v12, v37;
	v40 =	vshll.u32 v40, $0x2;
	v48 =	vsel vm0, v10, v35;
	v49 =	vld [tilespmem:s15+$0x3740]  }
0x60: {  	s17 =	sshra.s32 s16, $0x2;
	[tilespmem:s15+$0x1B40] =	vst v44;
	v44 =	vadd.s32 v46, v45;
	v43 =	vadd.s32 v43, v47;
	v40 =	vadd.s32 v48, v40  }
0x61: {  	vm0 =	vlt.s32 v39, v15;
	v45 =	vld [tilespmem:s17+$0x740];
	[tilespmem:s15+$0x1F40] =	vst v44;
	v44 =	vshll.u32 v39, $0x2;
	vm1 =	vlt.s32 v41, v16  }
0x62: {  	v41 =	vshll.u32 v41, $0x2;
	v39 =	vld [tilespmem:s17+$0xB40];
	[tilespmem:s15+$0x2340] =	vst v43;
	v43 =	vsel vm0, v3, v27;
	v46 =	vsel vm1, v2, v28  }
0x63: {  	v47 =	vld [tilespmem:s17+$0xF40];
	[tilespmem:s15+$0x2740] =	vst v40;
	v40 =	vadd.s32 v43, v44;
	v41 =	vadd.s32 v46, v41;
	vm0 =	vlt.s32 v42, v8  }
0x64: {  	[tilespmem:s15+$0x2B40] =	vst v40;
	v40 =	vshll.u32 v42, $0x2;
	v42 =	vsel vm0, v1, v23;
	vm0 =	vlt.s32 v49, v4  }
0x65: {  	v43 =	vld [tilespmem:s17+$0x1340];
	[tilespmem:s15+$0x2F40] =	vst v41;
	v40 =	vadd.s32 v42, v40;
	v41 =	vshll.u32 v49, $0x2;
	v42 =	vsel vm0, v0, v30  }
0x66: {  	vm0 =	vlt.s32 v45, v17;
	v44 =	vld [tilespmem:s17+$0x1740];
	[tilespmem:s15+$0x3340] =	vst v40;
	v40 =	vadd.s32 v42, v41  }
0x67: {  	v41 =	vshll.u32 v45, $0x2;
	v42 =	vsel vm0, v5, v29;
	[tilespmem:s15+$0x3740] =	vst v40;
	s15 =	smov.u32 s17  }
0x68: {  	v40 =	vshll.u32 v39, $0x2;
	vm0 =	vlt.s32 v39, v18;
	vm1 =	vlt.s32 v47, v19;
	v45 =	vld [tilespmem:s15+$0x1B40]  }
0x69: {  	v39 =	vsel vm0, v6, v31;
	v46 =	vshll.u32 v47, $0x2;
	v47 =	vsel vm1, v7, v32;
	v48 =	vld [tilespmem:s15+$0x1F40]  }
0x6a: {  	v41 =	vadd.s32 v42, v41;
	v42 =	vadd.s32 v39, v40;
	v46 =	vadd.s32 v47, v46;
	v49 =	vld [tilespmem:s15+$0x2340]  }
0x6b: {  	v39 =	vshll.u32 v43, $0x2;
	vm0 =	vlt.s32 v43, v20;
	vm1 =	vlt.s32 v44, v21;
	v40 =	vld [tilespmem:s15+$0x2740]  }
.Ltmp0:
0x6c: {  	v43 =	vsel vm0, v9, v33;
	v44 =	vshll.u32 v44, $0x2;
	v47 =	vsel vm1, v11, v34;
	(pc) =	sbr.rel @p0 .LBB2_2-.Ltmp0, $4  }
0x6d: {  	v50 =	vadd.s32 v43, v39;
	[tilespmem:s15+$0x740] =	vst v41;
	v43 =	vadd.s32 v47, v44;
	vm0 =	vlt.s32 v45, v22;
	v39 =	vld [tilespmem:s15+$0x2B40]  }
0x6e: {  	[tilespmem:s15+$0xB40] =	vst v42;
	v42 =	vshll.u32 v45, $0x2;
	v44 =	vsel vm0, v13, v36;
	vm0 =	vlt.s32 v48, v24;
	v41 =	vld [tilespmem:s15+$0x2F40]  }
0x6f: {  	v45 =	vshll.u32 v48, $0x2;
	[tilespmem:s15+$0xF40] =	vst v46;
	v44 =	vadd.s32 v44, v42;
	v46 =	vsel vm0, v14, v38  }
0x70: {  	s16 =	sadd.s32 $0x40, s16;
	v47 =	vshll.u32 v49, $0x2;
	vm1 =	vlt.s32 v49, v25;
	[tilespmem:s15+$0x1340] =	vst v50;
	vm0 =	vlt.s32 v40, v26;
	v42 =	vld [tilespmem:s15+$0x3340]  }
0x71: {  	[tilespmem:s15+$0x1740] =	vst v43;
	v5 =	vsel vm1, v12, v37;
	v6 =	vshll.u32 v40, $0x2;
	v7 =	vsel vm0, v10, v35;
	v9 =	vld [tilespmem:s15+$0x3740]  }
0x72: {  	[tilespmem:s15+$0x1B40] =	vst v44;
	v59 =	vadd.s32 v46, v45;
	v5 =	vadd.s32 v5, v47;
	v6 =	vadd.s32 v7, v6  }
0x73: {  	[tilespmem:s15+$0x1F40] =	vst v59;
	v60 =	vshll.u32 v39, $0x2;
	vm12 =	vlt.s32 v39, v15;
	vm13 =	vlt.s32 v41, v16  }
0x74: {  	[tilespmem:s15+$0x2340] =	vst v5;
	v3 =	vsel vm12, v3, v27;
	v61 =	vshll.u32 v41, $0x2;
	v2 =	vsel vm13, v2, v28  }
0x75: {  	[tilespmem:s15+$0x2740] =	vst v6;
	v3 =	vadd.s32 v3, v60;
	v2 =	vadd.s32 v2, v61;
	vm14 =	vlt.s32 v42, v8  }
0x76: {  	[tilespmem:s15+$0x2B40] =	vst v3;
	v62 =	vshll.u32 v42, $0x2;
	v1 =	vsel vm14, v1, v23;
	vm15 =	vlt.s32 v9, v4  }
0x77: {  	[tilespmem:s15+$0x2F40] =	vst v2;
	v63 =	vshll.u32 v9, $0x2;
	v1 =	vadd.s32 v1, v62;
	v0 =	vsel vm15, v0, v30  }
0x78: {  	[tilespmem:s15+$0x3340] =	vst v1;
	v0 =	vadd.s32 v0, v63  }
0x79: {  	[tilespmem:s15+$0x3740] =	vst v0  }
0x7a: {  	[tilespmem:s5], [sflag:$0x1] =	stream.indirect.gather [hbm4b:s19+s2], $0x20, s3, s2, $0xb8;
	[tilespmem:$0x13740] =	vst v63  }
0x7b: {  	_ =	swait.ge [sflag:s6], $0x8000  }
0x7c: {  	[sflag:s6] =	ssyncset.done $0x0  }
0x7d: {  	s17 =	rddreg [dreg:$0x4];
	[sflag:s6] =	ssyncadd.s32 $0xFFFF8000  }
0x7e: {  	[hbm4b:s17+s7] =	stream.strided.scatter [tilespmem:s5], [sflag:$0x3], $0x8000, s8, s7, $0x38;
	[tilespmem:$0x13740] =	vst v63  }
0x7f: {  	s16 =	simm.s32 $0x740  }
0x80: {  	[tilespmem:s9], [sflag:$0x2] =	stream.indirect.gather [hbm4b:s19+s2], $0x20, s16, s2, $0xb8;
	[tilespmem:$0x13740] =	vst v63  }
0x81: {  	_ =	swait.ge [sflag:s10], $0x8000  }
0x82: {  	[sflag:s10] =	ssyncset.done $0x0  }
0x83: {  	s17 =	rddreg [dreg:$0x5];
	[sflag:s10] =	ssyncadd.s32 $0xFFFF8000  }
0x84: {  	[hbm4b:s17+s7] =	stream.strided.scatter [tilespmem:s9], [sflag:$0x4], $0x8000, s8, s7, $0x38;
	[tilespmem:$0x13740] =	vst v63  }
0x85: {  	_ =	swait.ge [sflag:s11], $0x8000  }
0x86: {  	[sflag:s11] =	ssyncset.done $0x0  }
0x87: {  	s16 =	simm.s32 $0xB40;
	[sflag:s11] =	ssyncadd.s32 $0xFFFF8000  }
0x88: {  	[tilespmem:s5], [sflag:$0x1] =	stream.indirect.gather [hbm4b:s19+s2], $0x20, s16, s2, $0xb8;
	[tilespmem:$0x13740] =	vst v63  }
0x89: {  	_ =	swait.ge [sflag:s6], $0x8000  }
0x8a: {  	[sflag:s6] =	ssyncset.done $0x0  }
0x8b: {  	s17 =	rddreg [dreg:$0x6];
	[sflag:s6] =	ssyncadd.s32 $0xFFFF8000  }
0x8c: {  	[hbm4b:s17+s7] =	stream.strided.scatter [tilespmem:s5], [sflag:$0x3], $0x8000, s8, s7, $0x38;
	[tilespmem:$0x13740] =	vst v63  }
0x8d: {  	_ =	swait.ge [sflag:s13], $0x8000  }
0x8e: {  	[sflag:s13] =	ssyncset.done $0x0  }
0x8f: {  	s16 =	simm.s32 $0xF40;
	[sflag:s13] =	ssyncadd.s32 $0xFFFF8000  }
0x90: {  	[tilespmem:s9], [sflag:$0x2] =	stream.indirect.gather [hbm4b:s19+s2], $0x20, s16, s2, $0xb8;
	[tilespmem:$0x13740] =	vst v63  }
0x91: {  	_ =	swait.ge [sflag:s10], $0x8000  }
0x92: {  	[sflag:s10] =	ssyncset.done $0x0  }
0x93: {  	s17 =	rddreg [dreg:$0x7];
	[sflag:s10] =	ssyncadd.s32 $0xFFFF8000  }
0x94: {  	[hbm4b:s17+s7] =	stream.strided.scatter [tilespmem:s9], [sflag:$0x4], $0x8000, s8, s7, $0x38;
	[tilespmem:$0x13740] =	vst v63  }
0x95: {  	_ =	swait.ge [sflag:s11], $0x8000  }
0x96: {  	[sflag:s11] =	ssyncset.done $0x0  }
0x97: {  	s16 =	simm.s32 $0x1340;
	[sflag:s11] =	ssyncadd.s32 $0xFFFF8000  }
0x98: {  	[tilespmem:s5], [sflag:$0x1] =	stream.indirect.gather [hbm4b:s19+s2], $0x20, s16, s2, $0xb8;
	[tilespmem:$0x13740] =	vst v63  }
0x99: {  	_ =	swait.ge [sflag:s6], $0x8000  }
0x9a: {  	[sflag:s6] =	ssyncset.done $0x0  }
0x9b: {  	s17 =	rddreg [dreg:$0x8];
	[sflag:s6] =	ssyncadd.s32 $0xFFFF8000  }
0x9c: {  	[hbm4b:s17+s7] =	stream.strided.scatter [tilespmem:s5], [sflag:$0x3], $0x8000, s8, s7, $0x38;
	[tilespmem:$0x13740] =	vst v63  }
0x9d: {  	_ =	swait.ge [sflag:s13], $0x8000  }
0x9e: {  	[sflag:s13] =	ssyncset.done $0x0  }
0x9f: {  	s16 =	simm.s32 $0x1740;
	[sflag:s13] =	ssyncadd.s32 $0xFFFF8000  }
0xa0: {  	[tilespmem:s9], [sflag:$0x2] =	stream.indirect.gather [hbm4b:s19+s2], $0x20, s16, s2, $0xb8;
	[tilespmem:$0x13740] =	vst v63  }
0xa1: {  	_ =	swait.ge [sflag:s10], $0x8000  }
0xa2: {  	[sflag:s10] =	ssyncset.done $0x0  }
0xa3: {  	s17 =	rddreg [dreg:$0x9];
	[sflag:s10] =	ssyncadd.s32 $0xFFFF8000  }
0xa4: {  	[hbm4b:s17+s7] =	stream.strided.scatter [tilespmem:s9], [sflag:$0x4], $0x8000, s8, s7, $0x38;
	[tilespmem:$0x13740] =	vst v63  }
0xa5: {  	_ =	swait.ge [sflag:s11], $0x8000  }
0xa6: {  	[sflag:s11] =	ssyncset.done $0x0  }
0xa7: {  	s16 =	simm.s32 $0x1B40;
	[sflag:s11] =	ssyncadd.s32 $0xFFFF8000  }
0xa8: {  	[tilespmem:s5], [sflag:$0x1] =	stream.indirect.gather [hbm4b:s19+s2], $0x20, s16, s2, $0xb8;
	[tilespmem:$0x13740] =	vst v63  }
0xa9: {  	_ =	swait.ge [sflag:s6], $0x8000  }
0xaa: {  	[sflag:s6] =	ssyncset.done $0x0  }
0xab: {  	s17 =	rddreg [dreg:$0xa];
	[sflag:s6] =	ssyncadd.s32 $0xFFFF8000  }
0xac: {  	[hbm4b:s17+s7] =	stream.strided.scatter [tilespmem:s5], [sflag:$0x3], $0x8000, s8, s7, $0x38;
	[tilespmem:$0x13740] =	vst v63  }
0xad: {  	_ =	swait.ge [sflag:s13], $0x8000  }
0xae: {  	[sflag:s13] =	ssyncset.done $0x0  }
0xaf: {  	s16 =	simm.s32 $0x1F40;
	[sflag:s13] =	ssyncadd.s32 $0xFFFF8000  }
0xb0: {  	[tilespmem:s9], [sflag:$0x2] =	stream.indirect.gather [hbm4b:s19+s2], $0x20, s16, s2, $0xb8;
	[tilespmem:$0x13740] =	vst v63  }
0xb1: {  	_ =	swait.ge [sflag:s10], $0x8000  }
0xb2: {  	[sflag:s10] =	ssyncset.done $0x0  }
0xb3: {  	s17 =	rddreg [dreg:$0xb];
	[sflag:s10] =	ssyncadd.s32 $0xFFFF8000  }
0xb4: {  	[hbm4b:s17+s7] =	stream.strided.scatter [tilespmem:s9], [sflag:$0x4], $0x8000, s8, s7, $0x38;
	[tilespmem:$0x13740] =	vst v63  }
0xb5: {  	_ =	swait.ge [sflag:s11], $0x8000  }
0xb6: {  	[sflag:s11] =	ssyncset.done $0x0  }
0xb7: {  	s16 =	simm.s32 $0x2340;
	[sflag:s11] =	ssyncadd.s32 $0xFFFF8000  }
0xb8: {  	[tilespmem:s5], [sflag:$0x1] =	stream.indirect.gather [hbm4b:s19+s2], $0x20, s16, s2, $0xb8;
	[tilespmem:$0x13740] =	vst v63  }
0xb9: {  	_ =	swait.ge [sflag:s6], $0x8000  }
0xba: {  	[sflag:s6] =	ssyncset.done $0x0  }
0xbb: {  	s17 =	rddreg [dreg:$0xc];
	[sflag:s6] =	ssyncadd.s32 $0xFFFF8000  }
0xbc: {  	[hbm4b:s17+s7] =	stream.strided.scatter [tilespmem:s5], [sflag:$0x3], $0x8000, s8, s7, $0x38;
	[tilespmem:$0x13740] =	vst v63  }
0xbd: {  	_ =	swait.ge [sflag:s13], $0x8000  }
0xbe: {  	[sflag:s13] =	ssyncset.done $0x0  }
0xbf: {  	s16 =	simm.s32 $0x2740;
	[sflag:s13] =	ssyncadd.s32 $0xFFFF8000  }
0xc0: {  	[tilespmem:s9], [sflag:$0x2] =	stream.indirect.gather [hbm4b:s19+s2], $0x20, s16, s2, $0xb8;
	[tilespmem:$0x13740] =	vst v63  }
0xc1: {  	_ =	swait.ge [sflag:s10], $0x8000  }
0xc2: {  	[sflag:s10] =	ssyncset.done $0x0  }
0xc3: {  	s17 =	rddreg [dreg:$0xd];
	[sflag:s10] =	ssyncadd.s32 $0xFFFF8000  }
0xc4: {  	[hbm4b:s17+s7] =	stream.strided.scatter [tilespmem:s9], [sflag:$0x4], $0x8000, s8, s7, $0x38;
	[tilespmem:$0x13740] =	vst v63  }
0xc5: {  	_ =	swait.ge [sflag:s11], $0x8000  }
0xc6: {  	[sflag:s11] =	ssyncset.done $0x0  }
0xc7: {  	s16 =	simm.s32 $0x2B40;
	[sflag:s11] =	ssyncadd.s32 $0xFFFF8000  }
0xc8: {  	[tilespmem:s5], [sflag:$0x1] =	stream.indirect.gather [hbm4b:s19+s2], $0x20, s16, s2, $0xb8;
	[tilespmem:$0x13740] =	vst v63  }
0xc9: {  	_ =	swait.ge [sflag:s6], $0x8000  }
0xca: {  	[sflag:s6] =	ssyncset.done $0x0  }
0xcb: {  	s17 =	rddreg [dreg:$0xe];
	[sflag:s6] =	ssyncadd.s32 $0xFFFF8000  }
0xcc: {  	[hbm4b:s17+s7] =	stream.strided.scatter [tilespmem:s5], [sflag:$0x3], $0x8000, s8, s7, $0x38;
	[tilespmem:$0x13740] =	vst v63  }
0xcd: {  	_ =	swait.ge [sflag:s13], $0x8000  }
0xce: {  	[sflag:s13] =	ssyncset.done $0x0  }
0xcf: {  	s16 =	simm.s32 $0x2F40;
	[sflag:s13] =	ssyncadd.s32 $0xFFFF8000  }
0xd0: {  	[tilespmem:s9], [sflag:$0x2] =	stream.indirect.gather [hbm4b:s19+s2], $0x20, s16, s2, $0xb8;
	[tilespmem:$0x13740] =	vst v63  }
0xd1: {  	_ =	swait.ge [sflag:s10], $0x8000  }
0xd2: {  	[sflag:s10] =	ssyncset.done $0x0  }
0xd3: {  	s17 =	rddreg [dreg:$0xf];
	[sflag:s10] =	ssyncadd.s32 $0xFFFF8000  }
0xd4: {  	[hbm4b:s17+s7] =	stream.strided.scatter [tilespmem:s9], [sflag:$0x4], $0x8000, s8, s7, $0x38;
	[tilespmem:$0x13740] =	vst v63  }
0xd5: {  	_ =	swait.ge [sflag:s11], $0x8000  }
0xd6: {  	[sflag:s11] =	ssyncset.done $0x0  }
0xd7: {  	s16 =	simm.s32 $0x3340;
	[sflag:s11] =	ssyncadd.s32 $0xFFFF8000  }
0xd8: {  	[tilespmem:s5], [sflag:$0x1] =	stream.indirect.gather [hbm4b:s19+s2], $0x20, s16, s2, $0xb8;
	[tilespmem:$0x13740] =	vst v63  }
0xd9: {  	_ =	swait.ge [sflag:s6], $0x8000  }
0xda: {  	[sflag:s6] =	ssyncset.done $0x0  }
0xdb: {  	s14 =	sadd.s32 $0x1, s14;
	s17 =	rddreg [dreg:$0x10];
	[sflag:s6] =	ssyncadd.s32 $0xFFFF8000  }
0xdc: {  	[hbm4b:s17+s7] =	stream.strided.scatter [tilespmem:s5], [sflag:$0x3], $0x8000, s8, s7, $0x38;
	[tilespmem:$0x13740] =	vst v63  }
0xdd: {  	p0 =	sne.s32 s14, s1;
	_ =	swait.ge [sflag:s13], $0x8000  }
.Ltmp1:
0xde: {  	[sflag:s13] =	ssyncset.done $0x0;
	(pc) =	sbr.rel @p0 .LBB2_1-.Ltmp1, $4  }
0xdf: {  	[sflag:s13] =	ssyncadd.s32 $0xFFFF8000  }
0xe0: {  	_ =	swait.ge [sflag:s11], $0x8000  }
0xe1: {  	[sflag:s11] =	ssyncset.done $0x0  }
0xe2: {  	[sflag:s11] =	ssyncadd.s32 $0xFFFF8000  }
0xe3: {  	_ =	sfence.sel $0x180000  }
0xe4: {  	[bflag:$0x0] =	sbarrier.arrive $0xFFFF  }
0xe5: {  	_ =	strace $0x90000047  }
0xe6: {  	s0 =	stileid.u32;
	[bflag:$0x2] =	sbarrier.arrive $0xFFFF  }
0xe7: {  	p0 =	sne.s32 s0, $0x0;
	s0 =	rddreg [dreg:$0x2]  }
0xe8: {  	s0 =	sadd.s32 @!p0 $0x100000, s0  }
0xe9: {  	[sflag:s0] =	ssyncadd.tile.s32 @!p0 $0x1;
	_ =	shalt  }
.Lfunc_end2:
_tile_overlayer_lowered:
.L_overlay_start_2:
0xea: {  	(tag) =	ssettag $0x2  }
0xeb: {  	s0 =	rddreg [dreg:$0x0];
	s2 =	stileid.u32  }
0xec: {  	s1 =	rddreg [dreg:$0x1];
	p0 =	sne.s32 s2, $0x0  }
0xed: {  	s3 =	rddreg [dreg:$0x2];
	[bflag:$0x3] =	sbarrier.arrive $0xFFFF;
	s2 =	simm.s32 @!p0 $0x1C05  }
0xee: {  	[timem:s3], [sflag:s2] =	dma.local @!p0 [hbm:s0], s1  }
0xef: {  	s0 =	simm.s32 @!p0 $0x5  }
0xf0: {  	_ =	swait.ge @!p0 [sflag:s0], s1  }
0xf1: {  	s1 =	ssub.s32 @!p0 $0x0, s1;
	[sflag:s0] =	ssyncset.done @!p0 $0x0  }
0xf2: {  	[sflag:s0] =	ssyncadd.s32 @!p0 s1  }
0xf3: {  	[bflag:$0x3] =	sbarrier.arrive $0xFFFF  }
0xf4: {  	_ =	shalt  }

// kernel: sparse-core-data-format-call.cloned.1.call-start
scs
called_computation_lowered:
.L_overlay_start_0:
0x0: {  	s2 =	sld [smem:$0x3FD9]  }
0x1: {  	s3 =	sld [smem:$0x3FFE];
	_ =	sdelay $0x1  }
0x2: {  	s1 =	srdreg.scid  }
0x3: {  	s0 =	sand.u32 $0x1, s1  }
0x4: {  	s18 =	sshll.u32 s0, $0xA;
	s2 =	sadd.s32 s3, s2  }
0x5: {  	s2 =	sadd.s32 s2, s18  }
0x6: {  	[smem:$0x3FC5] =	sst s2  }
0x7: {  	_ = 	snop  }
0x8: {  	s2 =	sld [smem:$0x3FD0];
	(tm) =	ssettm $0x1  }
0x9: {  	s19 =	sld [smem:$0x3FFB];
	_ =	sdelay $0x3  }
0xa: {  	_ =	strace s19  }
0xb: {  	s3 =	sld [smem:$0x3FFC];
	_ =	sdelay $0x3  }
0xc: {  	_ =	strace s3  }
0xd: {  	s3 =	sld [smem:$0x3FFD];
	_ =	sdelay $0x3  }
0xe: {  	_ =	strace s3  }
0xf: {  	_ =	strace $0x8FFFFFFF  }
0x10: {  	s20 =	sld [smem:$0x3FDB];
	_ =	sdelay $0x1  }
0x11: {  	s4 =	simm.s32 $_scs_section_size  }
0x12: {  	s5 =	simm.s32 $_size__tile_overlayer_lowered;
	s6 =	simm.s32 $_tile_overlayer_lowered  }
0x13: {  	s23 =	simm.s32 $0x1BFF;
	s22 =	sshll.u32 s6, $0x1;
	s3 =	sadd.s32 s4, s20  }
0x14: {  	s7 =	simm.s32 $0x0;
	s21 =	sshll.u32 s5, $0x1;
	s5 =	sadd.s32 s22, s3  }
0x15: {  	[timem:s7], [sflag:s23] =	dma.local [hbm:s5], s21  }
0x16: {  	_ =	swait.ge [sflag:s23], s21  }
0x17: {  	s4 =	ssub.s32 $0x0, s21;
	[sflag:s23] =	ssyncset.done $0x0  }
0x18: {  	[sflag:s23] =	ssyncadd.s32 s4;
	_ =	sdelay $0x1  }
0x19: {  	s24 =	simm.s32 $0x1B8B  }
0x1a: {  	_ =	swait.ge [sflag:s24], $0x1  }
0x1b: {  	[sflag:s24] =	ssyncset.done $0x0  }
0x1c: {  	s26 =	simm.s32 $0x1B8E;
	s25 =	sld [smem:$0x3FFE];
	[sflag:s24] =	ssyncadd.s32 $0xFFFFFFFF  }
0x1d: {  	s27 =	simm.s32 $execute0_lowered;
	[smem:$0x3FD2] =	sst s26  }
0x1e: {  	s5 =	sshll.u32 s27, $0x1;
	_ =	strace $0x80000049;
	[dreg:$0x1] =	wrdreg $0xFFFFFFFF  }
0x1f: {  	s28 =	simm.s32 $_size_execute0_lowered;
	s3 =	sadd.s32 s3, s5;
	[dreg:$0x0] =	wrdreg $0x0  }
0x20: {  	s5 =	sshll.u32 s28, $0x1;
	[dreg:$0x2] =	wrdreg s3  }
0x21: {  	[dreg:$0x3] =	wrdreg s5  }
0x22: {  	[dreg:$0x4] =	wrdreg $0xC0  }
0x23: {  	_ =	task [dreg:s7], $0x5FFFF  }
0x24: {  	[dreg:$0x1] =	wrdreg $0xFFFFFFFF  }
0x25: {  	[dreg:$0x0] =	wrdreg $0x60  }
0x26: {  	[dreg:$0x2] =	wrdreg s25  }
0x27: {  	[dreg:$0x3] =	wrdreg s2  }
0x28: {  	[dreg:$0x4] =	wrdreg $0x9  }
0x29: {  	_ =	task.clear_ibuf [dreg:s7], $0x5FFFF;
	_ =	strace $0x90000049  }
0x2a: {  	s29 =	simm.s32 $0x9;
	_ =	strace $0x8000004B  }
0x2b: {  	_ =	swait.ge [sflag:s29], $0x1  }
0x2c: {  	[sflag:s29] =	ssyncadd.s32 $0xFFFFFFFF  }
0x2d: {  	_ =	strace $0x9000004B  }
0x2e: {  	_ =	sfence  }
0x2f: {  	s30 =	sld [smem:$0x0];
	_ =	sdelay $0x2  }
0x30: {  	s31 =	sshll.u32 s1, $0xD;
	s1 =	sshrl.u32 s1, $0x2  }
0x31: {  	s3 =	sand.u32 $0x4000, s31;
	s1 =	sadd.s32 s1, s30  }
0x32: {  	s0 =	sor.u32 s3, s0;
	s1 =	sshll.u32 s1, $0x11  }
0x33: {  	s0 =	sor.u32 s1, s0  }
0x34: {  	s0 =	sadd.s32 $0x8F2B, s0  }
0x35: {  	[sflag:s0] =	ssyncadd.remote.s32 $0x1  }
0x36: {  	_ =	sfence.sel $0xFFFF  }
0x37: {  	[dreg:$0x0] =	wrdreg $0xFFFFFFFF;
	(pc) =	sbr.abs _section_cstart, $3  }
0x38: {  	[dreg:$0x1] =	wrdreg $0xFFFFFFFF  }
0x39: {  	_ =	task.clear_ibuf [dreg:s7], $0x2FFFF;
	_ =	strace $0x9FFFFFFF  }
0x3a: {  	(tm) =	ssettm $0x7FFFFFFF  }
0x3b: {  	_ =	shalt  }
tec
execute0_lowered:
.L_overlay_start_1:
0x0: {  	(tag) =	ssettag $0x1  }
0x1: {  	s0 =	srdreg.scid  }
0x2: {  	s1 =	sshll.u32 s0, $0x4  }
0x3: {  	s0 =	stileid.u32;
	s1 =	sand.u32 $0x10, s1  }
0x4: {  	s7 =	rddreg [dreg:$0x0];
	s1 =	sor.u32 s0, s1  }
0x5: {  	s4 =	simm.s32 $0x1;
	s8 =	simm.s32 $0x2;
	s2 =	sshll.u32 s1, $0x7  }
0x6: {  	s13 =	simm.s32 $0x0;
	s9 =	simm.s32 $0x20000;
	s1 =	ssub.s32 $0x4000, s2  }
0x7: {  	s14 =	simm.s32 $0x0;
	s11 =	simm.s32 $0x0;
	s3 =	sand.u32 $0xF80, s1  }
0x8: {  	s12 =	simm.s32 $0x0;
	s5 =	sshrl.u32 s1, $0xC;
	p0 =	sne.s32 s3, $0x0  }
.Ltmp0:
0x9: {  	s1 =	rddreg [dreg:$0x2];
	s4 =	simm.s32 @!p0 $0x0;
	(pc) =	sbr.rel .LBB1_1-.Ltmp0, $4  }
0xa: {  	s6 =	sadd.s32 $0xA00E00, s7;
	s3 =	rddreg [dreg:$0x1];
	s5 =	sadd.s32 s4, s5  }
0xb: {  	_ =	strace $0x8000004A;
	s4 =	simm.s32 $0x1;
	s5 =	smul.u32 $0xD, s5  }
0xc: {  	s7 =	sadd.s32 $0xA40E00, s7;
	s10 =	smov.u32 s2;
	[sflag:s4] =	ssyncpa.u1 $0x0  }
0xd: {  	p0 =	por $0x0, $0x0;
	[sflag:s8] =	ssyncpa.u1 $0x0;
	s8 =	sadd.s32 $0x1, s5  }
.LBB1_7:
0xe: {  	s15 =	sadd.s32 $0x1000, s10  }
0xf: {  	s13 =	sadd.s32 $0x2, s11;
	s17 =	smov.u32 s11;
	p2 =	sgt.s32 s15, $0x3FFF  }
0x10: {  	s17 =	smov.u32 @p2 s13  }
0x11: {  	s15 =	smov.u32 @p2 s2;
	p2 =	sgt.s32 s17, $0x19  }
0x12: {  	s17 =	simm.s32 @p2 $0x0;
	p2 =	sne.s32 s12, s8  }
.Ltmp1:
0x13: {  	p1 =	slt.u32 s12, $0x2;
	(pc) =	sbr.rel @!p2 .LBB1_8-.Ltmp1, $4  }
0x14: {  	s16 =	simm.s32 @!p1 $0x2  }
0x15: {  	s14 =	smov.u32 s11;
	p0 =	por !p0, !p0;
	_ =	swait.ge @!p1 [sflag:s16], $0x2000  }
0x16: {  	s13 =	smov.u32 s10;
	[sflag:s16] =	ssyncset.done @!p1 $0x0;
	s10 =	smov.u32 s15  }
0x17: {  	s12 =	sadd.s32 $0x1, s12;
	[sflag:s16] =	ssyncadd.s32 @!p1 $0xFFFFE000;
	s11 =	smov.u32 s17  }
.LBB1_1:
0x18: {  	p1 =	sge.u32 s12, s5  }
0x19: {  	s15 =	sxor.u32 @!p1 $0xFFFFFFFF, s12;
	s16 =	sshll.u32 @!p1 s11, $0x12  }
0x1a: {  	s17 =	sshll.u32 @!p1 s10, $0x4;
	s19 =	simm.s32 @!p1 $0x20;
	s20 =	simm.s32 @!p1 $0x80  }
0x1b: {  	s15 =	sshll.u32 @!p1 s15, $0xD;
	s17 =	sand.u32 @!p1 $0x3FFF0, s17;
	s18 =	sadd.s32 @!p1 s6, s16  }
0x1c: {  	s16 =	sadd.s32 @!p1 s16, s7;
	s15 =	sand.u32 @!p1 $0x2000, s15;
	s18 =	sadd.s32 @!p1 s17, s18  }
0x1d: {  	[tilespmem:s15], [sflag:$0x1] =	stream.strided.gather @!p1 [hbm4b:s18+s19], $0x1000, s20, s19, $0x38;
	[tilespmem:$0x8080] =	vst v63  }
0x1e: {  	s31 =	sadd.s32 $0xFFFFFFFF, s12;
	s16 =	sadd.s32 @!p1 s17, s16;
	s15 =	sor.u32 @!p1 $0x1000, s15  }
0x1f: {  	[tilespmem:s15], [sflag:$0x1] =	stream.strided.gather @!p1 [hbm4b:s16+s19], $0x1000, s20, s19, $0x38;
	[tilespmem:$0x8080] =	vst v63  }
0x20: {  	p1 =	sge.u32 s31, s5  }
.Ltmp2:
0x21: {  	_ = 	snop;
	(pc) =	sbr.rel @p1 .LBB1_7-.Ltmp2, $1  }
0x22: {  	_ =	sdelay $0x3  }
0x23: {  	s15 =	simm.s32 $0x1;
	s17 =	sand.u32 $0x1, s12  }
0x24: {  	_ =	swait.ge [sflag:s4], $0x2000;
	s15 =	simm.s32 @!p0 $0x0;
	s17 =	smul.u32 $0x8100, s17  }
0x25: {  	p2 =	por $0x1, $0x1;
	[sflag:s4] =	ssyncset.done $0x0;
	s16 =	smul.u32 $0x8100, s15  }
0x26: {  	s18 =	sshll.u32 s15, $0xF;
	[sflag:s4] =	ssyncadd.s32 $0xFFFFE000;
	s30 =	sshrl.u32 s17, $0x2  }
0x27: {  	s31 =	sshrl.u32 s18, $0x2;
	s18 =	simm.s32 $0x0;
	s16 =	sshrl.u32 s16, $0x2  }
0x28: {  	s15 =	sor.u32 $0x4000, s30;
	s17 =	sadd.s32 $0x10, s31;
	s16 =	sor.u32 $0x4000, s16  }
.LBB1_3:
0x29: {  	s19 =	sshll.u32 s18, $0xC  }
0x2a: {  	s19 =	sand.u32 $0x3FFFF000, s19  }
0x2b: {  	s20 =	sadd.s32 s19, s17  }
0x2c: {  	s31 =	smul.u32 $0x4080, s18;
	v1 =	vld [tilespmem:s20+$0x0]  }
0x2d: {  	v0 =	vld [tilespmem:s20+$0xFFFFFFF0]  }
0x2e: {  	s18 =	sshra.s32 s31, $0x2  }
0x2f: {  	s18 =	sadd.s32 s18, s16  }
0x30: {  	s21 =	sadd.s32 $0x0, s18  }
0x31: {  	p1 =	por p2, p2;
	s19 =	simm.s32 $0x4;
	s20 =	sadd.s32 $0x20, s20;
	[tilespmem:s21+$0x810 ss:$0x81] =	vst.msk $0xffff, v1  }
.LBB1_4:
0x32: {  	v1 =	vld [tilespmem:s20+$0x0];
	p2 =	sne.s32 s19, $0x1FC;
	[tilespmem:s21+$0x0 ss:$0x81] =	vst.msk $0xffff, v0;
	s21 =	smov.u32 s19;
	s19 =	sadd.s32 $0x4, s19  }
.Ltmp3:
0x33: {  	v0 =	vld [tilespmem:s20+$0xFFFFFFF0];
	(pc) =	sbr.rel @p2 .LBB1_4-.Ltmp3, $4  }
0x34: {  	_ = 	snop  }
0x35: {  	s21 =	sshra.s32 s21, $0x2  }
0x36: {  	s21 =	sadd.s32 s21, s18  }
0x37: {  	s20 =	sadd.s32 $0x20, s20;
	[tilespmem:s21+$0x810 ss:$0x81] =	vst.msk $0xffff, v1  }
.Ltmp4:
0x38: {  	(pc) =	sbr.rel @p1 .LBB1_3-.Ltmp4, $2  }
0x39: {  	_ =	sdelay $0x2  }
0x3a: {  	[tilespmem:s21+$0x0 ss:$0x81] =	vst.msk $0xffff, v0;
	s18 =	simm.s32 $0x1;
	p2 =	por $0x0, $0x0  }
0x3b: {  	s16 =	sshll.u32 s13, $0x3;
	s17 =	sand.u32 $0x78, s13;
	s14 =	sshll.u32 s14, $0x10  }
.Ltmp5:
0x3c: {  	s30 =	sand.u32 $0xF800, s13;
	s16 =	sand.u32 $0x3C00, s16;
	(pc) =	sbr.rel .LBB1_7-.Ltmp5, $4  }
0x3d: {  	s31 =	sand.u32 $0x7, s13;
	s14 =	sadd.s32 s3, s14;
	s16 =	sor.u32 s17, s16  }
0x3e: {  	s13 =	sshll.u32 s31, $0x12;
	s14 =	sadd.s32 s30, s14;
	s16 =	sshrl.u32 s16, $0x3  }
0x3f: {  	s13 =	sor.u32 $0x400, s13;
	s14 =	sadd.s32 s16, s14  }
0x40: {  	[hbm4b:s14+s13] =	stream.strided.scatter [tilespmem:s15], [sflag:$0x2], $0x2000, s9, s13, $0x20;
	[tilespmem:$0x8080] =	vst v63  }
.LBB1_8:
0x41: {  	_ =	sfence.sel $0x180000  }
0x42: {  	s2 =	simm.s32 $0x1;
	[bflag:$0x0] =	sbarrier.arrive $0xFFFF  }
0x43: {  	s31 =	simm.s32 $0x2;
	[sflag:s2] =	ssyncpa.u1 $0x1  }
0x44: {  	[sflag:s31] =	ssyncpa.u1 $0x1  }
0x45: {  	p0 =	sne.s32 s0, $0x0;
	_ =	strace $0x9000004A  }
0x46: {  	s0 =	sadd.s32 @!p0 $0x100000, s1;
	[bflag:$0x2] =	sbarrier.arrive $0xFFFF  }
0x47: {  	[sflag:s0] =	ssyncadd.tile.s32 @!p0 $0x1;
	_ =	shalt  }
.Lfunc_end1:
_tile_overlayer_lowered:
.L_overlay_start_2:
0x48: {  	(tag) =	ssettag $0x2  }
0x49: {  	s0 =	rddreg [dreg:$0x0];
	s2 =	stileid.u32  }
0x4a: {  	s1 =	rddreg [dreg:$0x1];
	p0 =	sne.s32 s2, $0x0  }
0x4b: {  	s3 =	rddreg [dreg:$0x2];
	[bflag:$0x3] =	sbarrier.arrive $0xFFFF;
	s2 =	simm.s32 @!p0 $0x1C01  }
0x4c: {  	[timem:s3], [sflag:s2] =	dma.local @!p0 [hbm:s0], s1  }
0x4d: {  	s0 =	simm.s32 @!p0 $0x1  }
0x4e: {  	_ =	swait.ge @!p0 [sflag:s0], s1  }
0x4f: {  	s1 =	ssub.s32 @!p0 $0x0, s1;
	[sflag:s0] =	ssyncset.done @!p0 $0x0  }
0x50: {  	[sflag:s0] =	ssyncadd.s32 @!p0 s1  }
0x51: {  	[bflag:$0x3] =	sbarrier.arrive $0xFFFF  }
0x52: {  	_ =	shalt  }

</sc_bundles>
